<compile_context>
chip_gen: v7x
topology: tpu7x:2x2x1
jax: 0.10.2.dev20260603
libtpu: 0.0.44.dev20260713+nightly
codegen_flags: <defaults>
</compile_context>

<pallas_src>
import functools

import jax
import jax.numpy as jnp
from jax import lax
from jax.experimental import pallas as pl
from jax.experimental.pallas import tpu as pltpu
from jax.experimental.pallas import tpu_sc as plsc

N_HEADS = 4
K_EXPERTS = 2
N_EXPERTS = 8
D_IN = 768
D_OUT = 32
HID = 128
N_TOK = 32768

TILE = 4096
LANES = 16


def _bfly_perms(eio):
    return [jnp.bitwise_xor(eio, jnp.full((LANES,), d, jnp.int32))
            for d in (4, 2, 1)]


def _bfly_max_arg(v, idx, perms, vref, iref):
    for perm in perms:
        vref[...] = v
        iref[...] = idx
        ov = plsc.load_gather(vref, [perm])
        oi = plsc.load_gather(iref, [perm])
        take = (ov > v) | ((ov == v) & (oi < idx))
        v = jnp.where(take, ov, v)
        idx = jnp.where(take, oi, idx)
    return v, idx


def _bfly_sum(v, perms, vref):
    for perm in perms:
        vref[...] = v
        v = v + plsc.load_gather(vref, [perm])
    return v


def _sc_loss_body(scal_hbm, loss_hbm, scal_v, loss_v, vv, iv):
    @pl.when((lax.axis_index("c") == 0) & (lax.axis_index("s") == 0))
    def _():
        pltpu.sync_copy(scal_hbm, scal_v)
        eio = lax.iota(jnp.int32, LANES)
        perms = _bfly_perms(eio)
        neg_inf = jnp.full((LANES,), -jnp.inf, dtype=jnp.float32)
        zero = jnp.zeros((LANES,), dtype=jnp.float32)
        one = jnp.full((LANES,), 1.0, dtype=jnp.float32)
        lo8 = eio < jnp.full((LANES,), N_EXPERTS, jnp.int32)
        scs = []
        for h in range(N_HEADS):
            s = scal_v[h]
            m1, i1 = _bfly_max_arg(s, eio, perms, vv, iv)
            masked = jnp.where(eio == i1, neg_inf, s)
            m2, i2 = _bfly_max_arg(masked, eio, perms, vv, iv)
            e2 = jnp.exp(m2 - m1)
            denom = e2 + one
            p1 = one / denom
            p2 = e2 / denom
            sc_h = (jnp.where(eio == i1, p1, zero)
                    + jnp.where(eio == i2, p2, zero))
            scs.append(jnp.where(lo8, sc_h, zero))
        loss = zero
        for a in range(N_HEADS):
            gaa = _bfly_sum(scs[a] * scs[a], perms, vv) - one
            loss = loss + gaa * gaa
            for b in range(a + 1, N_HEADS):
                gab = _bfly_sum(scs[a] * scs[b], perms, vv)
                loss = loss + 2.0 * gab * gab
        loss_v[...] = loss
        pltpu.sync_copy(loss_v, loss_hbm)


def _tc_body(scaling_ref, Wb_ref, bb_ref, W1h_ref, b1_ref, WoT_ref, bo_ref,
             x_ref, out_ref, M_ref, c_ref):
    i = pl.program_id(0)

    @pl.when(i == 0)
    def _prologue():
        s = scaling_ref[...]
        eio = jax.lax.broadcasted_iota(jnp.int32, (N_HEADS, N_EXPERTS), 1)
        m1 = jnp.max(s, axis=1, keepdims=True)
        idx1 = jnp.min(jnp.where(s == m1, eio, N_EXPERTS),
                       axis=1, keepdims=True)
        masked = jnp.where(eio == idx1, -jnp.inf, s)
        m2 = jnp.max(masked, axis=1, keepdims=True)
        idx2 = jnp.min(jnp.where(masked == m2, eio, N_EXPERTS),
                       axis=1, keepdims=True)
        e2 = jnp.exp(m2 - m1)
        denom = 1.0 + e2
        p1 = 1.0 / denom
        p2 = e2 / denom
        scT = (p1 * (eio == idx1).astype(jnp.float32)
               + p2 * (eio == idx2).astype(jnp.float32))
        M = jnp.zeros((D_IN, HID), dtype=jnp.float32)
        c = b1_ref[...]
        for e in range(N_EXPERTS):
            A_e = jnp.zeros((D_OUT, HID), dtype=jnp.float32)
            for h in range(N_HEADS):
                A_e = A_e + scT[h:h + 1, e:e + 1] * W1h_ref[h]
            M = M + jax.lax.dot_general(Wb_ref[e], A_e,
                                        (((1,), (0,)), ((), ())),
                                        preferred_element_type=jnp.float32)
            c = c + jax.lax.dot_general(bb_ref[e:e + 1, :], A_e,
                                        (((1,), (0,)), ((), ())),
                                        preferred_element_type=jnp.float32)
        M_ref[...] = M
        c_ref[...] = c

    xt = x_ref[...]
    z = jax.lax.dot_general(xt, M_ref[...], (((1,), (0,)), ((), ())),
                            preferred_element_type=jnp.float32) + c_ref[...]
    hidden = jnp.maximum(z, 0.0) + jnp.log1p(jnp.exp(-jnp.abs(z)))
    outT = jax.lax.dot_general(WoT_ref[...], hidden,
                               (((1,), (1,)), ((), ())),
                               preferred_element_type=jnp.float32)
    out_ref[0] = outT + bo_ref[...]


@jax.jit
def _run(x, scaling, scaling_pad, Wb, bb, W1h, b1, WoT, bo):
    n = x.shape[0]
    nblk = n // TILE


    out3 = pl.pallas_call(
        _tc_body,
        grid=(nblk,),
        in_specs=[
            pl.BlockSpec((N_HEADS, N_EXPERTS), lambda i: (0, 0)),
            pl.BlockSpec((N_EXPERTS, D_IN, D_OUT), lambda i: (0, 0, 0)),
            pl.BlockSpec((N_EXPERTS, D_OUT), lambda i: (0, 0)),
            pl.BlockSpec((N_HEADS, D_OUT, HID), lambda i: (0, 0, 0)),
            pl.BlockSpec((1, HID), lambda i: (0, 0)),
            pl.BlockSpec((1, HID), lambda i: (0, 0)),
            pl.BlockSpec((1, 1), lambda i: (0, 0)),
            pl.BlockSpec((TILE, D_IN), lambda i: (i, 0)),
        ],
        out_specs=pl.BlockSpec((1, 1, TILE), lambda i: (i, 0, 0)),
        out_shape=jax.ShapeDtypeStruct((nblk, 1, TILE), jnp.float32),
        scratch_shapes=[
            pltpu.VMEM((D_IN, HID), jnp.float32),
            pltpu.VMEM((1, HID), jnp.float32),
        ],
        compiler_params=pltpu.CompilerParams(
            dimension_semantics=("arbitrary",)),
    )(scaling, Wb, bb, W1h, b1, WoT, bo, x)
    sc_loss = functools.partial(
        pl.kernel,
        mesh=plsc.VectorSubcoreMesh(core_axis_name="c", subcore_axis_name="s"),
        out_type=jax.ShapeDtypeStruct((LANES,), jnp.float32),
        scratch_types=[
            pltpu.VMEM((N_HEADS, LANES), jnp.float32),
            pltpu.VMEM((LANES,), jnp.float32),
            pltpu.VMEM((LANES,), jnp.float32),
            pltpu.VMEM((LANES,), jnp.int32),
        ],
        compiler_params=pltpu.CompilerParams(needs_layout_passes=False, skip_device_barrier=True),
    )(_sc_loss_body)
    loss16 = sc_loss(scaling_pad)
    return out3.reshape(n, 1), loss16[0]


def kernel(x, scaling, Wb, bb, W1, b1, Wo, bo):
    W1h = W1.reshape(D_OUT, N_HEADS, HID).transpose(1, 0, 2)
    scaling_pad = jnp.pad(scaling, ((0, 0), (0, LANES - N_EXPERTS)),
                          constant_values=-jnp.inf)
    return _run(x, scaling, scaling_pad, Wb, bb, W1h, b1.reshape(1, HID),
                Wo.reshape(1, HID), bo.reshape(1, 1))

# --- scband reference (transcript-rebuilt; emitter-appended) ---
"""Pipeline reference for scband-multihead-add-k-backbones-57655640981612 (READ-ONLY COPY).

The authoritative reference and input builder live on the scoring server;
editing this copy changes nothing except your own understanding.
"""

import jax, jax.numpy as jnp
import numpy as np

N_HEADS = 4
K_EXPERTS = 2
N_EXPERTS = 8
D_IN = 768
D_OUT = 32
N_TOK = 32768
HID = 32 * N_HEADS  # 128


def setup_inputs(seed: int = 0) -> dict:
    key = jax.random.key(seed)
    ks = jax.random.split(key, 8)
    x = jax.random.normal(ks[0], (N_TOK, D_IN), dtype=jnp.float32)
    # learned scaling params per pseudo-attention head (random init to avoid top-k ties)
    scaling = jax.random.normal(ks[1], (N_HEADS, N_EXPERTS), dtype=jnp.float32)
    # shared backbone (expert) linear weights: 8 experts, each Linear(768 -> 32)
    Wb = jax.random.normal(ks[2], (N_EXPERTS, D_IN, D_OUT), dtype=jnp.float32) * 0.02
    bb = jax.random.normal(ks[3], (N_EXPERTS, D_OUT), dtype=jnp.float32) * 0.02
    # Sanity_Check_Head with num_layers=2: Linear(128 -> 128) + Softplus, then Linear(128 -> 1)
    W1 = jax.random.normal(ks[4], (D_OUT * N_HEADS, HID), dtype=jnp.float32) * 0.05
    b1 = jax.random.normal(ks[5], (HID,), dtype=jnp.float32) * 0.05
    Wo = jax.random.normal(ks[6], (HID, 1), dtype=jnp.float32) * 0.05
    bo = jax.random.normal(ks[7], (1,), dtype=jnp.float32) * 0.05
    return {"x": x, "scaling": scaling, "Wb": Wb, "bb": bb, "W1": W1, "b1": b1, "Wo": Wo, "bo": bo}


def reference(x, scaling, Wb, bb, W1, b1, Wo, bo):
    n = x.shape[0]
    head_outputs = []
    score_lst = []
    for h in range(N_HEADS):
        # learned_backbone with option='add_k': top-k over scaling params
        top_vals, top_idx = jax.lax.top_k(scaling[h], K_EXPERTS)
        top_probs = jax.nn.softmax(top_vals)
        W_sel = jnp.take(Wb, top_idx, axis=0)   # [K, D_IN, D_OUT]
        b_sel = jnp.take(bb, top_idx, axis=0)   # [K, D_OUT]
        out_h = top_probs[0] * (x @ W_sel[0] + b_sel[0])
        for i in range(K_EXPERTS - 1):
            out_h = out_h + top_probs[i + 1] * (x @ W_sel[i + 1] + b_sel[i + 1])
        # scatter probabilities into dense expert-score vector
        scores_h = jnp.zeros((N_EXPERTS,), dtype=jnp.float32).at[top_idx].set(top_probs)
        head_outputs.append(out_h)
        score_lst.append(scores_h)
    multihead_feature = jnp.stack(head_outputs, axis=-1).reshape(n, -1)  # [N, D_OUT*N_HEADS]
    scores = jnp.stack(score_lst, axis=-1)  # [N_EXPERTS, N_HEADS]
    gram = scores.T @ scores - jnp.eye(N_HEADS, dtype=jnp.float32)
    loss_regularizer = jnp.sum(gram ** 2)  # ||.||_F^2
    # Sanity_Check_Head forward
    hidden = jax.nn.softplus(multihead_feature @ W1 + b1)
    out = hidden @ Wo + bo
    return out, loss_regularizer

if __name__ == "__main__":
    import jax
    _d = setup_inputs()
    print(jax.jit(kernel)(*tuple(_d.values())))

</pallas_src>

<mosaic_0001>
#map = affine_map<(d0, d1) -> (0, 0)>
#map1 = affine_map<(d0, d1) -> (0)>
module attributes {stable_mosaic.version = 14 : i64} {
  func.func @_sc_loss_body(%arg0: i32, %arg1: i32, %arg2: memref<4x16xf32, #tpu.memory_space<hbm>>, %arg3: memref<16xf32, #tpu.memory_space<hbm>>, %arg4: memref<4x16xf32, #tpu.memory_space<vmem>>, %arg5: memref<16xf32, #tpu.memory_space<vmem>>, %arg6: memref<16xf32, #tpu.memory_space<vmem>>, %arg7: memref<16xi32, #tpu.memory_space<vmem>>) attributes {dimension_semantics = [#tpu.dimension_semantics<core_parallel>, #tpu.dimension_semantics<subcore_parallel>], iteration_bounds = array<i64: 2, 16>, scalar_prefetch = 0 : i64, scratch_operands = 4 : i64, tpu.core_type = #tpu.core_type<sc_vector_subcore>, window_params = [{transform_indices = #map}, {transform_indices = #map1}]} {
    %eq3A = arith.constant 0 : i32
    %eq3A_0 = arith.cmpi eq, %arg0, %eq3A : i32
    %eq3A_1 = arith.constant 0 : i32
    %eq3A_2 = arith.cmpi eq, %arg1, %eq3A_1 : i32
    %and3A = arith.andi %eq3A_0, %eq3A_2 : i1
    %convert_element_type3A = arith.extui %and3A : i1 to i32
    %cond3A = arith.constant 0 : i32
    %cond3A_3 = arith.cmpi ne, %convert_element_type3A, %cond3A : i32
    scf.if %cond3A_3 {
      "tpu.region"() ({
        %run_scoped3A = tpu.sem_alloc : memref<!tpu.dma_semaphore, #tpu.memory_space<semaphore_mem>>
        tpu.enqueue_dma source(%arg2 : memref<4x16xf32, #tpu.memory_space<hbm>>) target(%arg4 : memref<4x16xf32, #tpu.memory_space<vmem>>) target_semaphore(%run_scoped3A : memref<!tpu.dma_semaphore, #tpu.memory_space<semaphore_mem>>)
        tpu.wait_dma2 semaphore(%run_scoped3A : memref<!tpu.dma_semaphore, #tpu.memory_space<semaphore_mem>>) src(%arg2 : memref<4x16xf32, #tpu.memory_space<hbm>>) dst(%arg4 : memref<4x16xf32, #tpu.memory_space<vmem>>)
        tpu.yield
      }) : () -> ()
      %iota3A = tpu.iota {dimensions = array<i32: 0>} : vector<16xi32>
      %broadcast_in_dim3A = arith.constant 4 : i32
      %broadcast_in_dim3A_4 = vector.broadcast %broadcast_in_dim3A : i32 to vector<16xi32>
      %xor3A = arith.xori %iota3A, %broadcast_in_dim3A_4 : vector<16xi32>
      %broadcast_in_dim3A_5 = arith.constant 2 : i32
      %broadcast_in_dim3A_6 = vector.broadcast %broadcast_in_dim3A_5 : i32 to vector<16xi32>
      %xor3A_7 = arith.xori %iota3A, %broadcast_in_dim3A_6 : vector<16xi32>
      %broadcast_in_dim3A_8 = arith.constant 1 : i32
      %broadcast_in_dim3A_9 = vector.broadcast %broadcast_in_dim3A_8 : i32 to vector<16xi32>
      %xor3A_10 = arith.xori %iota3A, %broadcast_in_dim3A_9 : vector<16xi32>
      %broadcast_in_dim3A_11 = arith.constant 0xFF800000 : f32
      %broadcast_in_dim3A_12 = vector.broadcast %broadcast_in_dim3A_11 : f32 to vector<16xf32>
      %broadcast_in_dim3A_13 = arith.constant 0.000000e+00 : f32
      %broadcast_in_dim3A_14 = vector.broadcast %broadcast_in_dim3A_13 : f32 to vector<16xf32>
      %broadcast_in_dim3A_15 = arith.constant 1.000000e+00 : f32
      %broadcast_in_dim3A_16 = vector.broadcast %broadcast_in_dim3A_15 : f32 to vector<16xf32>
      %broadcast_in_dim3A_17 = arith.constant 8 : i32
      %broadcast_in_dim3A_18 = vector.broadcast %broadcast_in_dim3A_17 : i32 to vector<16xi32>
      %lt3A = arith.cmpi slt, %iota3A, %broadcast_in_dim3A_18 : vector<16xi32>
      %get3A = arith.constant 0 : i32
      %get3A_19 = arith.index_cast %get3A : i32 to index
      %get3A_20 = arith.constant 0 : index
      %get3A_21 = tpu.vector_load %arg4[%get3A_19, %get3A_20] {strides = array<i32>} : memref<4x16xf32, #tpu.memory_space<vmem>>, vector<16xf32>,
      %swap3A = arith.constant 0 : index
      %swap3A_22 = tpu.vector_load %arg6[%swap3A] {strides = array<i32>} : memref<16xf32, #tpu.memory_space<vmem>>, vector<16xf32>,
      tpu.vector_store %arg6[%swap3A], %get3A_21 {strides = array<i32>} : memref<16xf32, #tpu.memory_space<vmem>>, vector<16xf32>,
      %swap3A_23 = arith.constant 0 : index
      %swap3A_24 = tpu.vector_load %arg7[%swap3A_23] {strides = array<i32>} : memref<16xi32, #tpu.memory_space<vmem>>, vector<16xi32>,
      tpu.vector_store %arg7[%swap3A_23], %iota3A {strides = array<i32>} : memref<16xi32, #tpu.memory_space<vmem>>, vector<16xi32>,
      %gather3A = tpu.vector_load_idx %arg6[%xor3A] : memref<16xf32, #tpu.memory_space<vmem>>[vector<16xi32>], vector<16xf32>,
      %gather3A_25 = tpu.vector_load_idx %arg7[%xor3A] : memref<16xi32, #tpu.memory_space<vmem>>[vector<16xi32>], vector<16xi32>,
      %gt3A = arith.cmpf ogt, %gather3A, %get3A_21 : vector<16xf32>
      %eq3A_26 = arith.cmpf oeq, %gather3A, %get3A_21 : vector<16xf32>
      %lt3A_27 = arith.cmpi slt, %gather3A_25, %iota3A : vector<16xi32>
      %and3A_28 = arith.andi %eq3A_26, %lt3A_27 : vector<16xi1>
      %or3A = arith.ori %gt3A, %and3A_28 : vector<16xi1>
      %select_n3A = arith.select %or3A, %gather3A, %get3A_21 : vector<16xi1>, vector<16xf32>
      %select_n3A_29 = arith.select %or3A, %gather3A_25, %iota3A : vector<16xi1>, vector<16xi32>
      %swap3A_30 = arith.constant 0 : index
      %swap3A_31 = tpu.vector_load %arg6[%swap3A_30] {strides = array<i32>} : memref<16xf32, #tpu.memory_space<vmem>>, vector<16xf32>,
      tpu.vector_store %arg6[%swap3A_30], %select_n3A {strides = array<i32>} : memref<16xf32, #tpu.memory_space<vmem>>, vector<16xf32>,
      %swap3A_32 = arith.constant 0 : index
      %swap3A_33 = tpu.vector_load %arg7[%swap3A_32] {strides = array<i32>} : memref<16xi32, #tpu.memory_space<vmem>>, vector<16xi32>,
      tpu.vector_store %arg7[%swap3A_32], %select_n3A_29 {strides = array<i32>} : memref<16xi32, #tpu.memory_space<vmem>>, vector<16xi32>,
      %gather3A_34 = tpu.vector_load_idx %arg6[%xor3A_7] : memref<16xf32, #tpu.memory_space<vmem>>[vector<16xi32>], vector<16xf32>,
      %gather3A_35 = tpu.vector_load_idx %arg7[%xor3A_7] : memref<16xi32, #tpu.memory_space<vmem>>[vector<16xi32>], vector<16xi32>,
      %gt3A_36 = arith.cmpf ogt, %gather3A_34, %select_n3A : vector<16xf32>
      %eq3A_37 = arith.cmpf oeq, %gather3A_34, %select_n3A : vector<16xf32>
      %lt3A_38 = arith.cmpi slt, %gather3A_35, %select_n3A_29 : vector<16xi32>
      %and3A_39 = arith.andi %eq3A_37, %lt3A_38 : vector<16xi1>
      %or3A_40 = arith.ori %gt3A_36, %and3A_39 : vector<16xi1>
      %select_n3A_41 = arith.select %or3A_40, %gather3A_34, %select_n3A : vector<16xi1>, vector<16xf32>
      %select_n3A_42 = arith.select %or3A_40, %gather3A_35, %select_n3A_29 : vector<16xi1>, vector<16xi32>
      %swap3A_43 = arith.constant 0 : index
      %swap3A_44 = tpu.vector_load %arg6[%swap3A_43] {strides = array<i32>} : memref<16xf32, #tpu.memory_space<vmem>>, vector<16xf32>,
      tpu.vector_store %arg6[%swap3A_43], %select_n3A_41 {strides = array<i32>} : memref<16xf32, #tpu.memory_space<vmem>>, vector<16xf32>,
      %swap3A_45 = arith.constant 0 : index
      %swap3A_46 = tpu.vector_load %arg7[%swap3A_45] {strides = array<i32>} : memref<16xi32, #tpu.memory_space<vmem>>, vector<16xi32>,
      tpu.vector_store %arg7[%swap3A_45], %select_n3A_42 {strides = array<i32>} : memref<16xi32, #tpu.memory_space<vmem>>, vector<16xi32>,
      %gather3A_47 = tpu.vector_load_idx %arg6[%xor3A_10] : memref<16xf32, #tpu.memory_space<vmem>>[vector<16xi32>], vector<16xf32>,
      %gather3A_48 = tpu.vector_load_idx %arg7[%xor3A_10] : memref<16xi32, #tpu.memory_space<vmem>>[vector<16xi32>], vector<16xi32>,
      %gt3A_49 = arith.cmpf ogt, %gather3A_47, %select_n3A_41 : vector<16xf32>
      %eq3A_50 = arith.cmpf oeq, %gather3A_47, %select_n3A_41 : vector<16xf32>
      %lt3A_51 = arith.cmpi slt, %gather3A_48, %select_n3A_42 : vector<16xi32>
      %and3A_52 = arith.andi %eq3A_50, %lt3A_51 : vector<16xi1>
      %or3A_53 = arith.ori %gt3A_49, %and3A_52 : vector<16xi1>
      %select_n3A_54 = arith.select %or3A_53, %gather3A_47, %select_n3A_41 : vector<16xi1>, vector<16xf32>
      %select_n3A_55 = arith.select %or3A_53, %gather3A_48, %select_n3A_42 : vector<16xi1>, vector<16xi32>
      %eq3A_56 = arith.cmpi eq, %iota3A, %select_n3A_55 : vector<16xi32>
      %select_n3A_57 = arith.select %eq3A_56, %broadcast_in_dim3A_12, %get3A_21 : vector<16xi1>, vector<16xf32>
      %swap3A_58 = arith.constant 0 : index
      %swap3A_59 = tpu.vector_load %arg6[%swap3A_58] {strides = array<i32>} : memref<16xf32, #tpu.memory_space<vmem>>, vector<16xf32>,
      tpu.vector_store %arg6[%swap3A_58], %select_n3A_57 {strides = array<i32>} : memref<16xf32, #tpu.memory_space<vmem>>, vector<16xf32>,
      %swap3A_60 = arith.constant 0 : index
      %swap3A_61 = tpu.vector_load %arg7[%swap3A_60] {strides = array<i32>} : memref<16xi32, #tpu.memory_space<vmem>>, vector<16xi32>,
      tpu.vector_store %arg7[%swap3A_60], %iota3A {strides = array<i32>} : memref<16xi32, #tpu.memory_space<vmem>>, vector<16xi32>,
      %gather3A_62 = tpu.vector_load_idx %arg6[%xor3A] : memref<16xf32, #tpu.memory_space<vmem>>[vector<16xi32>], vector<16xf32>,
      %gather3A_63 = tpu.vector_load_idx %arg7[%xor3A] : memref<16xi32, #tpu.memory_space<vmem>>[vector<16xi32>], vector<16xi32>,
      %gt3A_64 = arith.cmpf ogt, %gather3A_62, %select_n3A_57 : vector<16xf32>
      %eq3A_65 = arith.cmpf oeq, %gather3A_62, %select_n3A_57 : vector<16xf32>
      %lt3A_66 = arith.cmpi slt, %gather3A_63, %iota3A : vector<16xi32>
      %and3A_67 = arith.andi %eq3A_65, %lt3A_66 : vector<16xi1>
      %or3A_68 = arith.ori %gt3A_64, %and3A_67 : vector<16xi1>
      %select_n3A_69 = arith.select %or3A_68, %gather3A_62, %select_n3A_57 : vector<16xi1>, vector<16xf32>
      %select_n3A_70 = arith.select %or3A_68, %gather3A_63, %iota3A : vector<16xi1>, vector<16xi32>
      %swap3A_71 = arith.constant 0 : index
      %swap3A_72 = tpu.vector_load %arg6[%swap3A_71] {strides = array<i32>} : memref<16xf32, #tpu.memory_space<vmem>>, vector<16xf32>,
      tpu.vector_store %arg6[%swap3A_71], %select_n3A_69 {strides = array<i32>} : memref<16xf32, #tpu.memory_space<vmem>>, vector<16xf32>,
      %swap3A_73 = arith.constant 0 : index
      %swap3A_74 = tpu.vector_load %arg7[%swap3A_73] {strides = array<i32>} : memref<16xi32, #tpu.memory_space<vmem>>, vector<16xi32>,
      tpu.vector_store %arg7[%swap3A_73], %select_n3A_70 {strides = array<i32>} : memref<16xi32, #tpu.memory_space<vmem>>, vector<16xi32>,
      %gather3A_75 = tpu.vector_load_idx %arg6[%xor3A_7] : memref<16xf32, #tpu.memory_space<vmem>>[vector<16xi32>], vector<16xf32>,
      %gather3A_76 = tpu.vector_load_idx %arg7[%xor3A_7] : memref<16xi32, #tpu.memory_space<vmem>>[vector<16xi32>], vector<16xi32>,
      %gt3A_77 = arith.cmpf ogt, %gather3A_75, %select_n3A_69 : vector<16xf32>
      %eq3A_78 = arith.cmpf oeq, %gather3A_75, %select_n3A_69 : vector<16xf32>
      %lt3A_79 = arith.cmpi slt, %gather3A_76, %select_n3A_70 : vector<16xi32>
      %and3A_80 = arith.andi %eq3A_78, %lt3A_79 : vector<16xi1>
      %or3A_81 = arith.ori %gt3A_77, %and3A_80 : vector<16xi1>
      %select_n3A_82 = arith.select %or3A_81, %gather3A_75, %select_n3A_69 : vector<16xi1>, vector<16xf32>
      %select_n3A_83 = arith.select %or3A_81, %gather3A_76, %select_n3A_70 : vector<16xi1>, vector<16xi32>
      %swap3A_84 = arith.constant 0 : index
      %swap3A_85 = tpu.vector_load %arg6[%swap3A_84] {strides = array<i32>} : memref<16xf32, #tpu.memory_space<vmem>>, vector<16xf32>,
      tpu.vector_store %arg6[%swap3A_84], %select_n3A_82 {strides = array<i32>} : memref<16xf32, #tpu.memory_space<vmem>>, vector<16xf32>,
      %swap3A_86 = arith.constant 0 : index
      %swap3A_87 = tpu.vector_load %arg7[%swap3A_86] {strides = array<i32>} : memref<16xi32, #tpu.memory_space<vmem>>, vector<16xi32>,
      tpu.vector_store %arg7[%swap3A_86], %select_n3A_83 {strides = array<i32>} : memref<16xi32, #tpu.memory_space<vmem>>, vector<16xi32>,
      %gather3A_88 = tpu.vector_load_idx %arg6[%xor3A_10] : memref<16xf32, #tpu.memory_space<vmem>>[vector<16xi32>], vector<16xf32>,
      %gather3A_89 = tpu.vector_load_idx %arg7[%xor3A_10] : memref<16xi32, #tpu.memory_space<vmem>>[vector<16xi32>], vector<16xi32>,
      %gt3A_90 = arith.cmpf ogt, %gather3A_88, %select_n3A_82 : vector<16xf32>
      %eq3A_91 = arith.cmpf oeq, %gather3A_88, %select_n3A_82 : vector<16xf32>
      %lt3A_92 = arith.cmpi slt, %gather3A_89, %select_n3A_83 : vector<16xi32>
      %and3A_93 = arith.andi %eq3A_91, %lt3A_92 : vector<16xi1>
      %or3A_94 = arith.ori %gt3A_90, %and3A_93 : vector<16xi1>
      %select_n3A_95 = arith.select %or3A_94, %gather3A_88, %select_n3A_82 : vector<16xi1>, vector<16xf32>
      %select_n3A_96 = arith.select %or3A_94, %gather3A_89, %select_n3A_83 : vector<16xi1>, vector<16xi32>
      %sub3A = arith.subf %select_n3A_95, %select_n3A_54 : vector<16xf32>
      %exp3A = math.exp %sub3A : vector<16xf32>
      %add3A = arith.addf %exp3A, %broadcast_in_dim3A_16 : vector<16xf32>
      %div3A = arith.divf %broadcast_in_dim3A_16, %add3A : vector<16xf32>
      %div3A_97 = arith.divf %exp3A, %add3A : vector<16xf32>
      %eq3A_98 = arith.cmpi eq, %iota3A, %select_n3A_55 : vector<16xi32>
      %select_n3A_99 = arith.select %eq3A_98, %div3A, %broadcast_in_dim3A_14 : vector<16xi1>, vector<16xf32>
      %eq3A_100 = arith.cmpi eq, %iota3A, %select_n3A_96 : vector<16xi32>
      %select_n3A_101 = arith.select %eq3A_100, %div3A_97, %broadcast_in_dim3A_14 : vector<16xi1>, vector<16xf32>
      %add3A_102 = arith.addf %select_n3A_99, %select_n3A_101 : vector<16xf32>
      %select_n3A_103 = arith.select %lt3A, %add3A_102, %broadcast_in_dim3A_14 : vector<16xi1>, vector<16xf32>
      %get3A_104 = arith.constant 1 : i32
      %get3A_105 = arith.index_cast %get3A_104 : i32 to index
      %get3A_106 = arith.constant 0 : index
      %get3A_107 = tpu.vector_load %arg4[%get3A_105, %get3A_106] {strides = array<i32>} : memref<4x16xf32, #tpu.memory_space<vmem>>, vector<16xf32>,
      %swap3A_108 = arith.constant 0 : index
      %swap3A_109 = tpu.vector_load %arg6[%swap3A_108] {strides = array<i32>} : memref<16xf32, #tpu.memory_space<vmem>>, vector<16xf32>,
      tpu.vector_store %arg6[%swap3A_108], %get3A_107 {strides = array<i32>} : memref<16xf32, #tpu.memory_space<vmem>>, vector<16xf32>,
      %swap3A_110 = arith.constant 0 : index
      %swap3A_111 = tpu.vector_load %arg7[%swap3A_110] {strides = array<i32>} : memref<16xi32, #tpu.memory_space<vmem>>, vector<16xi32>,
      tpu.vector_store %arg7[%swap3A_110], %iota3A {strides = array<i32>} : memref<16xi32, #tpu.memory_space<vmem>>, vector<16xi32>,
      %gather3A_112 = tpu.vector_load_idx %arg6[%xor3A] : memref<16xf32, #tpu.memory_space<vmem>>[vector<16xi32>], vector<16xf32>,
      %gather3A_113 = tpu.vector_load_idx %arg7[%xor3A] : memref<16xi32, #tpu.memory_space<vmem>>[vector<16xi32>], vector<16xi32>,
      %gt3A_114 = arith.cmpf ogt, %gather3A_112, %get3A_107 : vector<16xf32>
      %eq3A_115 = arith.cmpf oeq, %gather3A_112, %get3A_107 : vector<16xf32>
      %lt3A_116 = arith.cmpi slt, %gather3A_113, %iota3A : vector<16xi32>
      %and3A_117 = arith.andi %eq3A_115, %lt3A_116 : vector<16xi1>
      %or3A_118 = arith.ori %gt3A_114, %and3A_117 : vector<16xi1>
      %select_n3A_119 = arith.select %or3A_118, %gather3A_112, %get3A_107 : vector<16xi1>, vector<16xf32>
      %select_n3A_120 = arith.select %or3A_118, %gather3A_113, %iota3A : vector<16xi1>, vector<16xi32>
      %swap3A_121 = arith.constant 0 : index
      %swap3A_122 = tpu.vector_load %arg6[%swap3A_121] {strides = array<i32>} : memref<16xf32, #tpu.memory_space<vmem>>, vector<16xf32>,
      tpu.vector_store %arg6[%swap3A_121], %select_n3A_119 {strides = array<i32>} : memref<16xf32, #tpu.memory_space<vmem>>, vector<16xf32>,
      %swap3A_123 = arith.constant 0 : index
      %swap3A_124 = tpu.vector_load %arg7[%swap3A_123] {strides = array<i32>} : memref<16xi32, #tpu.memory_space<vmem>>, vector<16xi32>,
      tpu.vector_store %arg7[%swap3A_123], %select_n3A_120 {strides = array<i32>} : memref<16xi32, #tpu.memory_space<vmem>>, vector<16xi32>,
      %gather3A_125 = tpu.vector_load_idx %arg6[%xor3A_7] : memref<16xf32, #tpu.memory_space<vmem>>[vector<16xi32>], vector<16xf32>,
      %gather3A_126 = tpu.vector_load_idx %arg7[%xor3A_7] : memref<16xi32, #tpu.memory_space<vmem>>[vector<16xi32>], vector<16xi32>,
      %gt3A_127 = arith.cmpf ogt, %gather3A_125, %select_n3A_119 : vector<16xf32>
      %eq3A_128 = arith.cmpf oeq, %gather3A_125, %select_n3A_119 : vector<16xf32>
      %lt3A_129 = arith.cmpi slt, %gather3A_126, %select_n3A_120 : vector<16xi32>
      %and3A_130 = arith.andi %eq3A_128, %lt3A_129 : vector<16xi1>
      %or3A_131 = arith.ori %gt3A_127, %and3A_130 : vector<16xi1>
      %select_n3A_132 = arith.select %or3A_131, %gather3A_125, %select_n3A_119 : vector<16xi1>, vector<16xf32>
      %select_n3A_133 = arith.select %or3A_131, %gather3A_126, %select_n3A_120 : vector<16xi1>, vector<16xi32>
      %swap3A_134 = arith.constant 0 : index
      %swap3A_135 = tpu.vector_load %arg6[%swap3A_134] {strides = array<i32>} : memref<16xf32, #tpu.memory_space<vmem>>, vector<16xf32>,
      tpu.vector_store %arg6[%swap3A_134], %select_n3A_132 {strides = array<i32>} : memref<16xf32, #tpu.memory_space<vmem>>, vector<16xf32>,
      %swap3A_136 = arith.constant 0 : index
      %swap3A_137 = tpu.vector_load %arg7[%swap3A_136] {strides = array<i32>} : memref<16xi32, #tpu.memory_space<vmem>>, vector<16xi32>,
      tpu.vector_store %arg7[%swap3A_136], %select_n3A_133 {strides = array<i32>} : memref<16xi32, #tpu.memory_space<vmem>>, vector<16xi32>,
      %gather3A_138 = tpu.vector_load_idx %arg6[%xor3A_10] : memref<16xf32, #tpu.memory_space<vmem>>[vector<16xi32>], vector<16xf32>,
      %gather3A_139 = tpu.vector_load_idx %arg7[%xor3A_10] : memref<16xi32, #tpu.memory_space<vmem>>[vector<16xi32>], vector<16xi32>,
      %gt3A_140 = arith.cmpf ogt, %gather3A_138, %select_n3A_132 : vector<16xf32>
      %eq3A_141 = arith.cmpf oeq, %gather3A_138, %select_n3A_132 : vector<16xf32>
      %lt3A_142 = arith.cmpi slt, %gather3A_139, %select_n3A_133 : vector<16xi32>
      %and3A_143 = arith.andi %eq3A_141, %lt3A_142 : vector<16xi1>
      %or3A_144 = arith.ori %gt3A_140, %and3A_143 : vector<16xi1>
      %select_n3A_145 = arith.select %or3A_144, %gather3A_138, %select_n3A_132 : vector<16xi1>, vector<16xf32>
      %select_n3A_146 = arith.select %or3A_144, %gather3A_139, %select_n3A_133 : vector<16xi1>, vector<16xi32>
      %eq3A_147 = arith.cmpi eq, %iota3A, %select_n3A_146 : vector<16xi32>
      %select_n3A_148 = arith.select %eq3A_147, %broadcast_in_dim3A_12, %get3A_107 : vector<16xi1>, vector<16xf32>
      %swap3A_149 = arith.constant 0 : index
      %swap3A_150 = tpu.vector_load %arg6[%swap3A_149] {strides = array<i32>} : memref<16xf32, #tpu.memory_space<vmem>>, vector<16xf32>,
      tpu.vector_store %arg6[%swap3A_149], %select_n3A_148 {strides = array<i32>} : memref<16xf32, #tpu.memory_space<vmem>>, vector<16xf32>,
      %swap3A_151 = arith.constant 0 : index
      %swap3A_152 = tpu.vector_load %arg7[%swap3A_151] {strides = array<i32>} : memref<16xi32, #tpu.memory_space<vmem>>, vector<16xi32>,
      tpu.vector_store %arg7[%swap3A_151], %iota3A {strides = array<i32>} : memref<16xi32, #tpu.memory_space<vmem>>, vector<16xi32>,
      %gather3A_153 = tpu.vector_load_idx %arg6[%xor3A] : memref<16xf32, #tpu.memory_space<vmem>>[vector<16xi32>], vector<16xf32>,
      %gather3A_154 = tpu.vector_load_idx %arg7[%xor3A] : memref<16xi32, #tpu.memory_space<vmem>>[vector<16xi32>], vector<16xi32>,
      %gt3A_155 = arith.cmpf ogt, %gather3A_153, %select_n3A_148 : vector<16xf32>
      %eq3A_156 = arith.cmpf oeq, %gather3A_153, %select_n3A_148 : vector<16xf32>
      %lt3A_157 = arith.cmpi slt, %gather3A_154, %iota3A : vector<16xi32>
      %and3A_158 = arith.andi %eq3A_156, %lt3A_157 : vector<16xi1>
      %or3A_159 = arith.ori %gt3A_155, %and3A_158 : vector<16xi1>
      %select_n3A_160 = arith.select %or3A_159, %gather3A_153, %select_n3A_148 : vector<16xi1>, vector<16xf32>
      %select_n3A_161 = arith.select %or3A_159, %gather3A_154, %iota3A : vector<16xi1>, vector<16xi32>
      %swap3A_162 = arith.constant 0 : index
      %swap3A_163 = tpu.vector_load %arg6[%swap3A_162] {strides = array<i32>} : memref<16xf32, #tpu.memory_space<vmem>>, vector<16xf32>,
      tpu.vector_store %arg6[%swap3A_162], %select_n3A_160 {strides = array<i32>} : memref<16xf32, #tpu.memory_space<vmem>>, vector<16xf32>,
      %swap3A_164 = arith.constant 0 : index
      %swap3A_165 = tpu.vector_load %arg7[%swap3A_164] {strides = array<i32>} : memref<16xi32, #tpu.memory_space<vmem>>, vector<16xi32>,
      tpu.vector_store %arg7[%swap3A_164], %select_n3A_161 {strides = array<i32>} : memref<16xi32, #tpu.memory_space<vmem>>, vector<16xi32>,
      %gather3A_166 = tpu.vector_load_idx %arg6[%xor3A_7] : memref<16xf32, #tpu.memory_space<vmem>>[vector<16xi32>], vector<16xf32>,
      %gather3A_167 = tpu.vector_load_idx %arg7[%xor3A_7] : memref<16xi32, #tpu.memory_space<vmem>>[vector<16xi32>], vector<16xi32>,
      %gt3A_168 = arith.cmpf ogt, %gather3A_166, %select_n3A_160 : vector<16xf32>
      %eq3A_169 = arith.cmpf oeq, %gather3A_166, %select_n3A_160 : vector<16xf32>
      %lt3A_170 = arith.cmpi slt, %gather3A_167, %select_n3A_161 : vector<16xi32>
      %and3A_171 = arith.andi %eq3A_169, %lt3A_170 : vector<16xi1>
      %or3A_172 = arith.ori %gt3A_168, %and3A_171 : vector<16xi1>
      %select_n3A_173 = arith.select %or3A_172, %gather3A_166, %select_n3A_160 : vector<16xi1>, vector<16xf32>
      %select_n3A_174 = arith.select %or3A_172, %gather3A_167, %select_n3A_161 : vector<16xi1>, vector<16xi32>
      %swap3A_175 = arith.constant 0 : index
      %swap3A_176 = tpu.vector_load %arg6[%swap3A_175] {strides = array<i32>} : memref<16xf32, #tpu.memory_space<vmem>>, vector<16xf32>,
      tpu.vector_store %arg6[%swap3A_175], %select_n3A_173 {strides = array<i32>} : memref<16xf32, #tpu.memory_space<vmem>>, vector<16xf32>,
      %swap3A_177 = arith.constant 0 : index
      %swap3A_178 = tpu.vector_load %arg7[%swap3A_177] {strides = array<i32>} : memref<16xi32, #tpu.memory_space<vmem>>, vector<16xi32>,
      tpu.vector_store %arg7[%swap3A_177], %select_n3A_174 {strides = array<i32>} : memref<16xi32, #tpu.memory_space<vmem>>, vector<16xi32>,
      %gather3A_179 = tpu.vector_load_idx %arg6[%xor3A_10] : memref<16xf32, #tpu.memory_space<vmem>>[vector<16xi32>], vector<16xf32>,
      %gather3A_180 = tpu.vector_load_idx %arg7[%xor3A_10] : memref<16xi32, #tpu.memory_space<vmem>>[vector<16xi32>], vector<16xi32>,
      %gt3A_181 = arith.cmpf ogt, %gather3A_179, %select_n3A_173 : vector<16xf32>
      %eq3A_182 = arith.cmpf oeq, %gather3A_179, %select_n3A_173 : vector<16xf32>
      %lt3A_183 = arith.cmpi slt, %gather3A_180, %select_n3A_174 : vector<16xi32>
      %and3A_184 = arith.andi %eq3A_182, %lt3A_183 : vector<16xi1>
      %or3A_185 = arith.ori %gt3A_181, %and3A_184 : vector<16xi1>
      %select_n3A_186 = arith.select %or3A_185, %gather3A_179, %select_n3A_173 : vector<16xi1>, vector<16xf32>
      %select_n3A_187 = arith.select %or3A_185, %gather3A_180, %select_n3A_174 : vector<16xi1>, vector<16xi32>
      %sub3A_188 = arith.subf %select_n3A_186, %select_n3A_145 : vector<16xf32>
      %exp3A_189 = math.exp %sub3A_188 : vector<16xf32>
      %add3A_190 = arith.addf %exp3A_189, %broadcast_in_dim3A_16 : vector<16xf32>
      %div3A_191 = arith.divf %broadcast_in_dim3A_16, %add3A_190 : vector<16xf32>
      %div3A_192 = arith.divf %exp3A_189, %add3A_190 : vector<16xf32>
      %eq3A_193 = arith.cmpi eq, %iota3A, %select_n3A_146 : vector<16xi32>
      %select_n3A_194 = arith.select %eq3A_193, %div3A_191, %broadcast_in_dim3A_14 : vector<16xi1>, vector<16xf32>
      %eq3A_195 = arith.cmpi eq, %iota3A, %select_n3A_187 : vector<16xi32>
      %select_n3A_196 = arith.select %eq3A_195, %div3A_192, %broadcast_in_dim3A_14 : vector<16xi1>, vector<16xf32>
      %add3A_197 = arith.addf %select_n3A_194, %select_n3A_196 : vector<16xf32>
      %select_n3A_198 = arith.select %lt3A, %add3A_197, %broadcast_in_dim3A_14 : vector<16xi1>, vector<16xf32>
      %get3A_199 = arith.constant 2 : i32
      %get3A_200 = arith.index_cast %get3A_199 : i32 to index
      %get3A_201 = arith.constant 0 : index
      %get3A_202 = tpu.vector_load %arg4[%get3A_200, %get3A_201] {strides = array<i32>} : memref<4x16xf32, #tpu.memory_space<vmem>>, vector<16xf32>,
      %swap3A_203 = arith.constant 0 : index
      %swap3A_204 = tpu.vector_load %arg6[%swap3A_203] {strides = array<i32>} : memref<16xf32, #tpu.memory_space<vmem>>, vector<16xf32>,
      tpu.vector_store %arg6[%swap3A_203], %get3A_202 {strides = array<i32>} : memref<16xf32, #tpu.memory_space<vmem>>, vector<16xf32>,
      %swap3A_205 = arith.constant 0 : index
      %swap3A_206 = tpu.vector_load %arg7[%swap3A_205] {strides = array<i32>} : memref<16xi32, #tpu.memory_space<vmem>>, vector<16xi32>,
      tpu.vector_store %arg7[%swap3A_205], %iota3A {strides = array<i32>} : memref<16xi32, #tpu.memory_space<vmem>>, vector<16xi32>,
      %gather3A_207 = tpu.vector_load_idx %arg6[%xor3A] : memref<16xf32, #tpu.memory_space<vmem>>[vector<16xi32>], vector<16xf32>,
      %gather3A_208 = tpu.vector_load_idx %arg7[%xor3A] : memref<16xi32, #tpu.memory_space<vmem>>[vector<16xi32>], vector<16xi32>,
      %gt3A_209 = arith.cmpf ogt, %gather3A_207, %get3A_202 : vector<16xf32>
      %eq3A_210 = arith.cmpf oeq, %gather3A_207, %get3A_202 : vector<16xf32>
      %lt3A_211 = arith.cmpi slt, %gather3A_208, %iota3A : vector<16xi32>
      %and3A_212 = arith.andi %eq3A_210, %lt3A_211 : vector<16xi1>
      %or3A_213 = arith.ori %gt3A_209, %and3A_212 : vector<16xi1>
      %select_n3A_214 = arith.select %or3A_213, %gather3A_207, %get3A_202 : vector<16xi1>, vector<16xf32>
      %select_n3A_215 = arith.select %or3A_213, %gather3A_208, %iota3A : vector<16xi1>, vector<16xi32>
      %swap3A_216 = arith.constant 0 : index
      %swap3A_217 = tpu.vector_load %arg6[%swap3A_216] {strides = array<i32>} : memref<16xf32, #tpu.memory_space<vmem>>, vector<16xf32>,
      tpu.vector_store %arg6[%swap3A_216], %select_n3A_214 {strides = array<i32>} : memref<16xf32, #tpu.memory_space<vmem>>, vector<16xf32>,
      %swap3A_218 = arith.constant 0 : index
      %swap3A_219 = tpu.vector_load %arg7[%swap3A_218] {strides = array<i32>} : memref<16xi32, #tpu.memory_space<vmem>>, vector<16xi32>,
      tpu.vector_store %arg7[%swap3A_218], %select_n3A_215 {strides = array<i32>} : memref<16xi32, #tpu.memory_space<vmem>>, vector<16xi32>,
      %gather3A_220 = tpu.vector_load_idx %arg6[%xor3A_7] : memref<16xf32, #tpu.memory_space<vmem>>[vector<16xi32>], vector<16xf32>,
      %gather3A_221 = tpu.vector_load_idx %arg7[%xor3A_7] : memref<16xi32, #tpu.memory_space<vmem>>[vector<16xi32>], vector<16xi32>,
      %gt3A_222 = arith.cmpf ogt, %gather3A_220, %select_n3A_214 : vector<16xf32>
      %eq3A_223 = arith.cmpf oeq, %gather3A_220, %select_n3A_214 : vector<16xf32>
      %lt3A_224 = arith.cmpi slt, %gather3A_221, %select_n3A_215 : vector<16xi32>
      %and3A_225 = arith.andi %eq3A_223, %lt3A_224 : vector<16xi1>
      %or3A_226 = arith.ori %gt3A_222, %and3A_225 : vector<16xi1>
      %select_n3A_227 = arith.select %or3A_226, %gather3A_220, %select_n3A_214 : vector<16xi1>, vector<16xf32>
      %select_n3A_228 = arith.select %or3A_226, %gather3A_221, %select_n3A_215 : vector<16xi1>, vector<16xi32>
      %swap3A_229 = arith.constant 0 : index
      %swap3A_230 = tpu.vector_load %arg6[%swap3A_229] {strides = array<i32>} : memref<16xf32, #tpu.memory_space<vmem>>, vector<16xf32>,
      tpu.vector_store %arg6[%swap3A_229], %select_n3A_227 {strides = array<i32>} : memref<16xf32, #tpu.memory_space<vmem>>, vector<16xf32>,
      %swap3A_231 = arith.constant 0 : index
      %swap3A_232 = tpu.vector_load %arg7[%swap3A_231] {strides = array<i32>} : memref<16xi32, #tpu.memory_space<vmem>>, vector<16xi32>,
      tpu.vector_store %arg7[%swap3A_231], %select_n3A_228 {strides = array<i32>} : memref<16xi32, #tpu.memory_space<vmem>>, vector<16xi32>,
      %gather3A_233 = tpu.vector_load_idx %arg6[%xor3A_10] : memref<16xf32, #tpu.memory_space<vmem>>[vector<16xi32>], vector<16xf32>,
      %gather3A_234 = tpu.vector_load_idx %arg7[%xor3A_10] : memref<16xi32, #tpu.memory_space<vmem>>[vector<16xi32>], vector<16xi32>,
      %gt3A_235 = arith.cmpf ogt, %gather3A_233, %select_n3A_227 : vector<16xf32>
      %eq3A_236 = arith.cmpf oeq, %gather3A_233, %select_n3A_227 : vector<16xf32>
      %lt3A_237 = arith.cmpi slt, %gather3A_234, %select_n3A_228 : vector<16xi32>
      %and3A_238 = arith.andi %eq3A_236, %lt3A_237 : vector<16xi1>
      %or3A_239 = arith.ori %gt3A_235, %and3A_238 : vector<16xi1>
      %select_n3A_240 = arith.select %or3A_239, %gather3A_233, %select_n3A_227 : vector<16xi1>, vector<16xf32>
      %select_n3A_241 = arith.select %or3A_239, %gather3A_234, %select_n3A_228 : vector<16xi1>, vector<16xi32>
      %eq3A_242 = arith.cmpi eq, %iota3A, %select_n3A_241 : vector<16xi32>
      %select_n3A_243 = arith.select %eq3A_242, %broadcast_in_dim3A_12, %get3A_202 : vector<16xi1>, vector<16xf32>
      %swap3A_244 = arith.constant 0 : index
      %swap3A_245 = tpu.vector_load %arg6[%swap3A_244] {strides = array<i32>} : memref<16xf32, #tpu.memory_space<vmem>>, vector<16xf32>,
      tpu.vector_store %arg6[%swap3A_244], %select_n3A_243 {strides = array<i32>} : memref<16xf32, #tpu.memory_space<vmem>>, vector<16xf32>,
      %swap3A_246 = arith.constant 0 : index
      %swap3A_247 = tpu.vector_load %arg7[%swap3A_246] {strides = array<i32>} : memref<16xi32, #tpu.memory_space<vmem>>, vector<16xi32>,
      tpu.vector_store %arg7[%swap3A_246], %iota3A {strides = array<i32>} : memref<16xi32, #tpu.memory_space<vmem>>, vector<16xi32>,
      %gather3A_248 = tpu.vector_load_idx %arg6[%xor3A] : memref<16xf32, #tpu.memory_space<vmem>>[vector<16xi32>], vector<16xf32>,
      %gather3A_249 = tpu.vector_load_idx %arg7[%xor3A] : memref<16xi32, #tpu.memory_space<vmem>>[vector<16xi32>], vector<16xi32>,
      %gt3A_250 = arith.cmpf ogt, %gather3A_248, %select_n3A_243 : vector<16xf32>
      %eq3A_251 = arith.cmpf oeq, %gather3A_248, %select_n3A_243 : vector<16xf32>
      %lt3A_252 = arith.cmpi slt, %gather3A_249, %iota3A : vector<16xi32>
      %and3A_253 = arith.andi %eq3A_251, %lt3A_252 : vector<16xi1>
      %or3A_254 = arith.ori %gt3A_250, %and3A_253 : vector<16xi1>
      %select_n3A_255 = arith.select %or3A_254, %gather3A_248, %select_n3A_243 : vector<16xi1>, vector<16xf32>
      %select_n3A_256 = arith.select %or3A_254, %gather3A_249, %iota3A : vector<16xi1>, vector<16xi32>
      %swap3A_257 = arith.constant 0 : index
      %swap3A_258 = tpu.vector_load %arg6[%swap3A_257] {strides = array<i32>} : memref<16xf32, #tpu.memory_space<vmem>>, vector<16xf32>,
      tpu.vector_store %arg6[%swap3A_257], %select_n3A_255 {strides = array<i32>} : memref<16xf32, #tpu.memory_space<vmem>>, vector<16xf32>,
      %swap3A_259 = arith.constant 0 : index
      %swap3A_260 = tpu.vector_load %arg7[%swap3A_259] {strides = array<i32>} : memref<16xi32, #tpu.memory_space<vmem>>, vector<16xi32>,
      tpu.vector_store %arg7[%swap3A_259], %select_n3A_256 {strides = array<i32>} : memref<16xi32, #tpu.memory_space<vmem>>, vector<16xi32>,
      %gather3A_261 = tpu.vector_load_idx %arg6[%xor3A_7] : memref<16xf32, #tpu.memory_space<vmem>>[vector<16xi32>], vector<16xf32>,
      %gather3A_262 = tpu.vector_load_idx %arg7[%xor3A_7] : memref<16xi32, #tpu.memory_space<vmem>>[vector<16xi32>], vector<16xi32>,
      %gt3A_263 = arith.cmpf ogt, %gather3A_261, %select_n3A_255 : vector<16xf32>
      %eq3A_264 = arith.cmpf oeq, %gather3A_261, %select_n3A_255 : vector<16xf32>
      %lt3A_265 = arith.cmpi slt, %gather3A_262, %select_n3A_256 : vector<16xi32>
      %and3A_266 = arith.andi %eq3A_264, %lt3A_265 : vector<16xi1>
      %or3A_267 = arith.ori %gt3A_263, %and3A_266 : vector<16xi1>
      %select_n3A_268 = arith.select %or3A_267, %gather3A_261, %select_n3A_255 : vector<16xi1>, vector<16xf32>
      %select_n3A_269 = arith.select %or3A_267, %gather3A_262, %select_n3A_256 : vector<16xi1>, vector<16xi32>
      %swap3A_270 = arith.constant 0 : index
      %swap3A_271 = tpu.vector_load %arg6[%swap3A_270] {strides = array<i32>} : memref<16xf32, #tpu.memory_space<vmem>>, vector<16xf32>,
      tpu.vector_store %arg6[%swap3A_270], %select_n3A_268 {strides = array<i32>} : memref<16xf32, #tpu.memory_space<vmem>>, vector<16xf32>,
      %swap3A_272 = arith.constant 0 : index
      %swap3A_273 = tpu.vector_load %arg7[%swap3A_272] {strides = array<i32>} : memref<16xi32, #tpu.memory_space<vmem>>, vector<16xi32>,
      tpu.vector_store %arg7[%swap3A_272], %select_n3A_269 {strides = array<i32>} : memref<16xi32, #tpu.memory_space<vmem>>, vector<16xi32>,
      %gather3A_274 = tpu.vector_load_idx %arg6[%xor3A_10] : memref<16xf32, #tpu.memory_space<vmem>>[vector<16xi32>], vector<16xf32>,
      %gather3A_275 = tpu.vector_load_idx %arg7[%xor3A_10] : memref<16xi32, #tpu.memory_space<vmem>>[vector<16xi32>], vector<16xi32>,
      %gt3A_276 = arith.cmpf ogt, %gather3A_274, %select_n3A_268 : vector<16xf32>
      %eq3A_277 = arith.cmpf oeq, %gather3A_274, %select_n3A_268 : vector<16xf32>
      %lt3A_278 = arith.cmpi slt, %gather3A_275, %select_n3A_269 : vector<16xi32>
      %and3A_279 = arith.andi %eq3A_277, %lt3A_278 : vector<16xi1>
      %or3A_280 = arith.ori %gt3A_276, %and3A_279 : vector<16xi1>
      %select_n3A_281 = arith.select %or3A_280, %gather3A_274, %select_n3A_268 : vector<16xi1>, vector<16xf32>
      %select_n3A_282 = arith.select %or3A_280, %gather3A_275, %select_n3A_269 : vector<16xi1>, vector<16xi32>
      %sub3A_283 = arith.subf %select_n3A_281, %select_n3A_240 : vector<16xf32>
      %exp3A_284 = math.exp %sub3A_283 : vector<16xf32>
      %add3A_285 = arith.addf %exp3A_284, %broadcast_in_dim3A_16 : vector<16xf32>
      %div3A_286 = arith.divf %broadcast_in_dim3A_16, %add3A_285 : vector<16xf32>
      %div3A_287 = arith.divf %exp3A_284, %add3A_285 : vector<16xf32>
      %eq3A_288 = arith.cmpi eq, %iota3A, %select_n3A_241 : vector<16xi32>
      %select_n3A_289 = arith.select %eq3A_288, %div3A_286, %broadcast_in_dim3A_14 : vector<16xi1>, vector<16xf32>
      %eq3A_290 = arith.cmpi eq, %iota3A, %select_n3A_282 : vector<16xi32>
      %select_n3A_291 = arith.select %eq3A_290, %div3A_287, %broadcast_in_dim3A_14 : vector<16xi1>, vector<16xf32>
      %add3A_292 = arith.addf %select_n3A_289, %select_n3A_291 : vector<16xf32>
      %select_n3A_293 = arith.select %lt3A, %add3A_292, %broadcast_in_dim3A_14 : vector<16xi1>, vector<16xf32>
      %get3A_294 = arith.constant 3 : i32
      %get3A_295 = arith.index_cast %get3A_294 : i32 to index
      %get3A_296 = arith.constant 0 : index
      %get3A_297 = tpu.vector_load %arg4[%get3A_295, %get3A_296] {strides = array<i32>} : memref<4x16xf32, #tpu.memory_space<vmem>>, vector<16xf32>,
      %swap3A_298 = arith.constant 0 : index
      %swap3A_299 = tpu.vector_load %arg6[%swap3A_298] {strides = array<i32>} : memref<16xf32, #tpu.memory_space<vmem>>, vector<16xf32>,
      tpu.vector_store %arg6[%swap3A_298], %get3A_297 {strides = array<i32>} : memref<16xf32, #tpu.memory_space<vmem>>, vector<16xf32>,
      %swap3A_300 = arith.constant 0 : index
      %swap3A_301 = tpu.vector_load %arg7[%swap3A_300] {strides = array<i32>} : memref<16xi32, #tpu.memory_space<vmem>>, vector<16xi32>,
      tpu.vector_store %arg7[%swap3A_300], %iota3A {strides = array<i32>} : memref<16xi32, #tpu.memory_space<vmem>>, vector<16xi32>,
      %gather3A_302 = tpu.vector_load_idx %arg6[%xor3A] : memref<16xf32, #tpu.memory_space<vmem>>[vector<16xi32>], vector<16xf32>,
      %gather3A_303 = tpu.vector_load_idx %arg7[%xor3A] : memref<16xi32, #tpu.memory_space<vmem>>[vector<16xi32>], vector<16xi32>,
      %gt3A_304 = arith.cmpf ogt, %gather3A_302, %get3A_297 : vector<16xf32>
      %eq3A_305 = arith.cmpf oeq, %gather3A_302, %get3A_297 : vector<16xf32>
      %lt3A_306 = arith.cmpi slt, %gather3A_303, %iota3A : vector<16xi32>
      %and3A_307 = arith.andi %eq3A_305, %lt3A_306 : vector<16xi1>
      %or3A_308 = arith.ori %gt3A_304, %and3A_307 : vector<16xi1>
      %select_n3A_309 = arith.select %or3A_308, %gather3A_302, %get3A_297 : vector<16xi1>, vector<16xf32>
      %select_n3A_310 = arith.select %or3A_308, %gather3A_303, %iota3A : vector<16xi1>, vector<16xi32>
      %swap3A_311 = arith.constant 0 : index
      %swap3A_312 = tpu.vector_load %arg6[%swap3A_311] {strides = array<i32>} : memref<16xf32, #tpu.memory_space<vmem>>, vector<16xf32>,
      tpu.vector_store %arg6[%swap3A_311], %select_n3A_309 {strides = array<i32>} : memref<16xf32, #tpu.memory_space<vmem>>, vector<16xf32>,
      %swap3A_313 = arith.constant 0 : index
      %swap3A_314 = tpu.vector_load %arg7[%swap3A_313] {strides = array<i32>} : memref<16xi32, #tpu.memory_space<vmem>>, vector<16xi32>,
      tpu.vector_store %arg7[%swap3A_313], %select_n3A_310 {strides = array<i32>} : memref<16xi32, #tpu.memory_space<vmem>>, vector<16xi32>,
      %gather3A_315 = tpu.vector_load_idx %arg6[%xor3A_7] : memref<16xf32, #tpu.memory_space<vmem>>[vector<16xi32>], vector<16xf32>,
      %gather3A_316 = tpu.vector_load_idx %arg7[%xor3A_7] : memref<16xi32, #tpu.memory_space<vmem>>[vector<16xi32>], vector<16xi32>,
      %gt3A_317 = arith.cmpf ogt, %gather3A_315, %select_n3A_309 : vector<16xf32>
      %eq3A_318 = arith.cmpf oeq, %gather3A_315, %select_n3A_309 : vector<16xf32>
      %lt3A_319 = arith.cmpi slt, %gather3A_316, %select_n3A_310 : vector<16xi32>
      %and3A_320 = arith.andi %eq3A_318, %lt3A_319 : vector<16xi1>
      %or3A_321 = arith.ori %gt3A_317, %and3A_320 : vector<16xi1>
      %select_n3A_322 = arith.select %or3A_321, %gather3A_315, %select_n3A_309 : vector<16xi1>, vector<16xf32>
      %select_n3A_323 = arith.select %or3A_321, %gather3A_316, %select_n3A_310 : vector<16xi1>, vector<16xi32>
      %swap3A_324 = arith.constant 0 : index
      %swap3A_325 = tpu.vector_load %arg6[%swap3A_324] {strides = array<i32>} : memref<16xf32, #tpu.memory_space<vmem>>, vector<16xf32>,
      tpu.vector_store %arg6[%swap3A_324], %select_n3A_322 {strides = array<i32>} : memref<16xf32, #tpu.memory_space<vmem>>, vector<16xf32>,
      %swap3A_326 = arith.constant 0 : index
      %swap3A_327 = tpu.vector_load %arg7[%swap3A_326] {strides = array<i32>} : memref<16xi32, #tpu.memory_space<vmem>>, vector<16xi32>,
      tpu.vector_store %arg7[%swap3A_326], %select_n3A_323 {strides = array<i32>} : memref<16xi32, #tpu.memory_space<vmem>>, vector<16xi32>,
      %gather3A_328 = tpu.vector_load_idx %arg6[%xor3A_10] : memref<16xf32, #tpu.memory_space<vmem>>[vector<16xi32>], vector<16xf32>,
      %gather3A_329 = tpu.vector_load_idx %arg7[%xor3A_10] : memref<16xi32, #tpu.memory_space<vmem>>[vector<16xi32>], vector<16xi32>,
      %gt3A_330 = arith.cmpf ogt, %gather3A_328, %select_n3A_322 : vector<16xf32>
      %eq3A_331 = arith.cmpf oeq, %gather3A_328, %select_n3A_322 : vector<16xf32>
      %lt3A_332 = arith.cmpi slt, %gather3A_329, %select_n3A_323 : vector<16xi32>
      %and3A_333 = arith.andi %eq3A_331, %lt3A_332 : vector<16xi1>
      %or3A_334 = arith.ori %gt3A_330, %and3A_333 : vector<16xi1>
      %select_n3A_335 = arith.select %or3A_334, %gather3A_328, %select_n3A_322 : vector<16xi1>, vector<16xf32>
      %select_n3A_336 = arith.select %or3A_334, %gather3A_329, %select_n3A_323 : vector<16xi1>, vector<16xi32>
      %eq3A_337 = arith.cmpi eq, %iota3A, %select_n3A_336 : vector<16xi32>
      %select_n3A_338 = arith.select %eq3A_337, %broadcast_in_dim3A_12, %get3A_297 : vector<16xi1>, vector<16xf32>
      %swap3A_339 = arith.constant 0 : index
      %swap3A_340 = tpu.vector_load %arg6[%swap3A_339] {strides = array<i32>} : memref<16xf32, #tpu.memory_space<vmem>>, vector<16xf32>,
      tpu.vector_store %arg6[%swap3A_339], %select_n3A_338 {strides = array<i32>} : memref<16xf32, #tpu.memory_space<vmem>>, vector<16xf32>,
      %swap3A_341 = arith.constant 0 : index
      %swap3A_342 = tpu.vector_load %arg7[%swap3A_341] {strides = array<i32>} : memref<16xi32, #tpu.memory_space<vmem>>, vector<16xi32>,
      tpu.vector_store %arg7[%swap3A_341], %iota3A {strides = array<i32>} : memref<16xi32, #tpu.memory_space<vmem>>, vector<16xi32>,
      %gather3A_343 = tpu.vector_load_idx %arg6[%xor3A] : memref<16xf32, #tpu.memory_space<vmem>>[vector<16xi32>], vector<16xf32>,
      %gather3A_344 = tpu.vector_load_idx %arg7[%xor3A] : memref<16xi32, #tpu.memory_space<vmem>>[vector<16xi32>], vector<16xi32>,
      %gt3A_345 = arith.cmpf ogt, %gather3A_343, %select_n3A_338 : vector<16xf32>
      %eq3A_346 = arith.cmpf oeq, %gather3A_343, %select_n3A_338 : vector<16xf32>
      %lt3A_347 = arith.cmpi slt, %gather3A_344, %iota3A : vector<16xi32>
      %and3A_348 = arith.andi %eq3A_346, %lt3A_347 : vector<16xi1>
      %or3A_349 = arith.ori %gt3A_345, %and3A_348 : vector<16xi1>
      %select_n3A_350 = arith.select %or3A_349, %gather3A_343, %select_n3A_338 : vector<16xi1>, vector<16xf32>
      %select_n3A_351 = arith.select %or3A_349, %gather3A_344, %iota3A : vector<16xi1>, vector<16xi32>
      %swap3A_352 = arith.constant 0 : index
      %swap3A_353 = tpu.vector_load %arg6[%swap3A_352] {strides = array<i32>} : memref<16xf32, #tpu.memory_space<vmem>>, vector<16xf32>,
      tpu.vector_store %arg6[%swap3A_352], %select_n3A_350 {strides = array<i32>} : memref<16xf32, #tpu.memory_space<vmem>>, vector<16xf32>,
      %swap3A_354 = arith.constant 0 : index
      %swap3A_355 = tpu.vector_load %arg7[%swap3A_354] {strides = array<i32>} : memref<16xi32, #tpu.memory_space<vmem>>, vector<16xi32>,
      tpu.vector_store %arg7[%swap3A_354], %select_n3A_351 {strides = array<i32>} : memref<16xi32, #tpu.memory_space<vmem>>, vector<16xi32>,
      %gather3A_356 = tpu.vector_load_idx %arg6[%xor3A_7] : memref<16xf32, #tpu.memory_space<vmem>>[vector<16xi32>], vector<16xf32>,
      %gather3A_357 = tpu.vector_load_idx %arg7[%xor3A_7] : memref<16xi32, #tpu.memory_space<vmem>>[vector<16xi32>], vector<16xi32>,
      %gt3A_358 = arith.cmpf ogt, %gather3A_356, %select_n3A_350 : vector<16xf32>
      %eq3A_359 = arith.cmpf oeq, %gather3A_356, %select_n3A_350 : vector<16xf32>
      %lt3A_360 = arith.cmpi slt, %gather3A_357, %select_n3A_351 : vector<16xi32>
      %and3A_361 = arith.andi %eq3A_359, %lt3A_360 : vector<16xi1>
      %or3A_362 = arith.ori %gt3A_358, %and3A_361 : vector<16xi1>
      %select_n3A_363 = arith.select %or3A_362, %gather3A_356, %select_n3A_350 : vector<16xi1>, vector<16xf32>
      %select_n3A_364 = arith.select %or3A_362, %gather3A_357, %select_n3A_351 : vector<16xi1>, vector<16xi32>
      %swap3A_365 = arith.constant 0 : index
      %swap3A_366 = tpu.vector_load %arg6[%swap3A_365] {strides = array<i32>} : memref<16xf32, #tpu.memory_space<vmem>>, vector<16xf32>,
      tpu.vector_store %arg6[%swap3A_365], %select_n3A_363 {strides = array<i32>} : memref<16xf32, #tpu.memory_space<vmem>>, vector<16xf32>,
      %swap3A_367 = arith.constant 0 : index
      %swap3A_368 = tpu.vector_load %arg7[%swap3A_367] {strides = array<i32>} : memref<16xi32, #tpu.memory_space<vmem>>, vector<16xi32>,
      tpu.vector_store %arg7[%swap3A_367], %select_n3A_364 {strides = array<i32>} : memref<16xi32, #tpu.memory_space<vmem>>, vector<16xi32>,
      %gather3A_369 = tpu.vector_load_idx %arg6[%xor3A_10] : memref<16xf32, #tpu.memory_space<vmem>>[vector<16xi32>], vector<16xf32>,
      %gather3A_370 = tpu.vector_load_idx %arg7[%xor3A_10] : memref<16xi32, #tpu.memory_space<vmem>>[vector<16xi32>], vector<16xi32>,
      %gt3A_371 = arith.cmpf ogt, %gather3A_369, %select_n3A_363 : vector<16xf32>
      %eq3A_372 = arith.cmpf oeq, %gather3A_369, %select_n3A_363 : vector<16xf32>
      %lt3A_373 = arith.cmpi slt, %gather3A_370, %select_n3A_364 : vector<16xi32>
      %and3A_374 = arith.andi %eq3A_372, %lt3A_373 : vector<16xi1>
      %or3A_375 = arith.ori %gt3A_371, %and3A_374 : vector<16xi1>
      %select_n3A_376 = arith.select %or3A_375, %gather3A_369, %select_n3A_363 : vector<16xi1>, vector<16xf32>
      %select_n3A_377 = arith.select %or3A_375, %gather3A_370, %select_n3A_364 : vector<16xi1>, vector<16xi32>
      %sub3A_378 = arith.subf %select_n3A_376, %select_n3A_335 : vector<16xf32>
      %exp3A_379 = math.exp %sub3A_378 : vector<16xf32>
      %add3A_380 = arith.addf %exp3A_379, %broadcast_in_dim3A_16 : vector<16xf32>
      %div3A_381 = arith.divf %broadcast_in_dim3A_16, %add3A_380 : vector<16xf32>
      %div3A_382 = arith.divf %exp3A_379, %add3A_380 : vector<16xf32>
      %eq3A_383 = arith.cmpi eq, %iota3A, %select_n3A_336 : vector<16xi32>
      %select_n3A_384 = arith.select %eq3A_383, %div3A_381, %broadcast_in_dim3A_14 : vector<16xi1>, vector<16xf32>
      %eq3A_385 = arith.cmpi eq, %iota3A, %select_n3A_377 : vector<16xi32>
      %select_n3A_386 = arith.select %eq3A_385, %div3A_382, %broadcast_in_dim3A_14 : vector<16xi1>, vector<16xf32>
      %add3A_387 = arith.addf %select_n3A_384, %select_n3A_386 : vector<16xf32>
      %select_n3A_388 = arith.select %lt3A, %add3A_387, %broadcast_in_dim3A_14 : vector<16xi1>, vector<16xf32>
      %mul3A = arith.mulf %select_n3A_103, %select_n3A_103 : vector<16xf32>
      %swap3A_389 = arith.constant 0 : index
      %swap3A_390 = tpu.vector_load %arg6[%swap3A_389] {strides = array<i32>} : memref<16xf32, #tpu.memory_space<vmem>>, vector<16xf32>,
      tpu.vector_store %arg6[%swap3A_389], %mul3A {strides = array<i32>} : memref<16xf32, #tpu.memory_space<vmem>>, vector<16xf32>,
      %gather3A_391 = tpu.vector_load_idx %arg6[%xor3A] : memref<16xf32, #tpu.memory_space<vmem>>[vector<16xi32>], vector<16xf32>,
      %add3A_392 = arith.addf %mul3A, %gather3A_391 : vector<16xf32>
      %swap3A_393 = arith.constant 0 : index
      %swap3A_394 = tpu.vector_load %arg6[%swap3A_393] {strides = array<i32>} : memref<16xf32, #tpu.memory_space<vmem>>, vector<16xf32>,
      tpu.vector_store %arg6[%swap3A_393], %add3A_392 {strides = array<i32>} : memref<16xf32, #tpu.memory_space<vmem>>, vector<16xf32>,
      %gather3A_395 = tpu.vector_load_idx %arg6[%xor3A_7] : memref<16xf32, #tpu.memory_space<vmem>>[vector<16xi32>], vector<16xf32>,
      %add3A_396 = arith.addf %add3A_392, %gather3A_395 : vector<16xf32>
      %swap3A_397 = arith.constant 0 : index
      %swap3A_398 = tpu.vector_load %arg6[%swap3A_397] {strides = array<i32>} : memref<16xf32, #tpu.memory_space<vmem>>, vector<16xf32>,
      tpu.vector_store %arg6[%swap3A_397], %add3A_396 {strides = array<i32>} : memref<16xf32, #tpu.memory_space<vmem>>, vector<16xf32>,
      %gather3A_399 = tpu.vector_load_idx %arg6[%xor3A_10] : memref<16xf32, #tpu.memory_space<vmem>>[vector<16xi32>], vector<16xf32>,
      %add3A_400 = arith.addf %add3A_396, %gather3A_399 : vector<16xf32>
      %sub3A_401 = arith.subf %add3A_400, %broadcast_in_dim3A_16 : vector<16xf32>
      %mul3A_402 = arith.mulf %sub3A_401, %sub3A_401 : vector<16xf32>
      %add3A_403 = arith.addf %broadcast_in_dim3A_14, %mul3A_402 : vector<16xf32>
      %mul3A_404 = arith.mulf %select_n3A_103, %select_n3A_198 : vector<16xf32>
      %swap3A_405 = arith.constant 0 : index
      %swap3A_406 = tpu.vector_load %arg6[%swap3A_405] {strides = array<i32>} : memref<16xf32, #tpu.memory_space<vmem>>, vector<16xf32>,
      tpu.vector_store %arg6[%swap3A_405], %mul3A_404 {strides = array<i32>} : memref<16xf32, #tpu.memory_space<vmem>>, vector<16xf32>,
      %gather3A_407 = tpu.vector_load_idx %arg6[%xor3A] : memref<16xf32, #tpu.memory_space<vmem>>[vector<16xi32>], vector<16xf32>,
      %add3A_408 = arith.addf %mul3A_404, %gather3A_407 : vector<16xf32>
      %swap3A_409 = arith.constant 0 : index
      %swap3A_410 = tpu.vector_load %arg6[%swap3A_409] {strides = array<i32>} : memref<16xf32, #tpu.memory_space<vmem>>, vector<16xf32>,
      tpu.vector_store %arg6[%swap3A_409], %add3A_408 {strides = array<i32>} : memref<16xf32, #tpu.memory_space<vmem>>, vector<16xf32>,
      %gather3A_411 = tpu.vector_load_idx %arg6[%xor3A_7] : memref<16xf32, #tpu.memory_space<vmem>>[vector<16xi32>], vector<16xf32>,
      %add3A_412 = arith.addf %add3A_408, %gather3A_411 : vector<16xf32>
      %swap3A_413 = arith.constant 0 : index
      %swap3A_414 = tpu.vector_load %arg6[%swap3A_413] {strides = array<i32>} : memref<16xf32, #tpu.memory_space<vmem>>, vector<16xf32>,
      tpu.vector_store %arg6[%swap3A_413], %add3A_412 {strides = array<i32>} : memref<16xf32, #tpu.memory_space<vmem>>, vector<16xf32>,
      %gather3A_415 = tpu.vector_load_idx %arg6[%xor3A_10] : memref<16xf32, #tpu.memory_space<vmem>>[vector<16xi32>], vector<16xf32>,
      %add3A_416 = arith.addf %add3A_412, %gather3A_415 : vector<16xf32>
      %mul3A_417 = arith.constant 2.000000e+00 : f32
      %mul3A_418 = vector.broadcast %mul3A_417 : f32 to vector<16xf32>
      %mul3A_419 = arith.mulf %mul3A_418, %add3A_416 : vector<16xf32>
      %mul3A_420 = arith.mulf %mul3A_419, %add3A_416 : vector<16xf32>
      %add3A_421 = arith.addf %add3A_403, %mul3A_420 : vector<16xf32>
      %mul3A_422 = arith.mulf %select_n3A_103, %select_n3A_293 : vector<16xf32>
      %swap3A_423 = arith.constant 0 : index
      %swap3A_424 = tpu.vector_load %arg6[%swap3A_423] {strides = array<i32>} : memref<16xf32, #tpu.memory_space<vmem>>, vector<16xf32>,
      tpu.vector_store %arg6[%swap3A_423], %mul3A_422 {strides = array<i32>} : memref<16xf32, #tpu.memory_space<vmem>>, vector<16xf32>,
      %gather3A_425 = tpu.vector_load_idx %arg6[%xor3A] : memref<16xf32, #tpu.memory_space<vmem>>[vector<16xi32>], vector<16xf32>,
      %add3A_426 = arith.addf %mul3A_422, %gather3A_425 : vector<16xf32>
      %swap3A_427 = arith.constant 0 : index
      %swap3A_428 = tpu.vector_load %arg6[%swap3A_427] {strides = array<i32>} : memref<16xf32, #tpu.memory_space<vmem>>, vector<16xf32>,
      tpu.vector_store %arg6[%swap3A_427], %add3A_426 {strides = array<i32>} : memref<16xf32, #tpu.memory_space<vmem>>, vector<16xf32>,
      %gather3A_429 = tpu.vector_load_idx %arg6[%xor3A_7] : memref<16xf32, #tpu.memory_space<vmem>>[vector<16xi32>], vector<16xf32>,
      %add3A_430 = arith.addf %add3A_426, %gather3A_429 : vector<16xf32>
      %swap3A_431 = arith.constant 0 : index
      %swap3A_432 = tpu.vector_load %arg6[%swap3A_431] {strides = array<i32>} : memref<16xf32, #tpu.memory_space<vmem>>, vector<16xf32>,
      tpu.vector_store %arg6[%swap3A_431], %add3A_430 {strides = array<i32>} : memref<16xf32, #tpu.memory_space<vmem>>, vector<16xf32>,
      %gather3A_433 = tpu.vector_load_idx %arg6[%xor3A_10] : memref<16xf32, #tpu.memory_space<vmem>>[vector<16xi32>], vector<16xf32>,
      %add3A_434 = arith.addf %add3A_430, %gather3A_433 : vector<16xf32>
      %mul3A_435 = arith.constant 2.000000e+00 : f32
      %mul3A_436 = vector.broadcast %mul3A_435 : f32 to vector<16xf32>
      %mul3A_437 = arith.mulf %mul3A_436, %add3A_434 : vector<16xf32>
      %mul3A_438 = arith.mulf %mul3A_437, %add3A_434 : vector<16xf32>
      %add3A_439 = arith.addf %add3A_421, %mul3A_438 : vector<16xf32>
      %mul3A_440 = arith.mulf %select_n3A_103, %select_n3A_388 : vector<16xf32>
      %swap3A_441 = arith.constant 0 : index
      %swap3A_442 = tpu.vector_load %arg6[%swap3A_441] {strides = array<i32>} : memref<16xf32, #tpu.memory_space<vmem>>, vector<16xf32>,
      tpu.vector_store %arg6[%swap3A_441], %mul3A_440 {strides = array<i32>} : memref<16xf32, #tpu.memory_space<vmem>>, vector<16xf32>,
      %gather3A_443 = tpu.vector_load_idx %arg6[%xor3A] : memref<16xf32, #tpu.memory_space<vmem>>[vector<16xi32>], vector<16xf32>,
      %add3A_444 = arith.addf %mul3A_440, %gather3A_443 : vector<16xf32>
      %swap3A_445 = arith.constant 0 : index
      %swap3A_446 = tpu.vector_load %arg6[%swap3A_445] {strides = array<i32>} : memref<16xf32, #tpu.memory_space<vmem>>, vector<16xf32>,
      tpu.vector_store %arg6[%swap3A_445], %add3A_444 {strides = array<i32>} : memref<16xf32, #tpu.memory_space<vmem>>, vector<16xf32>,
      %gather3A_447 = tpu.vector_load_idx %arg6[%xor3A_7] : memref<16xf32, #tpu.memory_space<vmem>>[vector<16xi32>], vector<16xf32>,
      %add3A_448 = arith.addf %add3A_444, %gather3A_447 : vector<16xf32>
      %swap3A_449 = arith.constant 0 : index
      %swap3A_450 = tpu.vector_load %arg6[%swap3A_449] {strides = array<i32>} : memref<16xf32, #tpu.memory_space<vmem>>, vector<16xf32>,
      tpu.vector_store %arg6[%swap3A_449], %add3A_448 {strides = array<i32>} : memref<16xf32, #tpu.memory_space<vmem>>, vector<16xf32>,
      %gather3A_451 = tpu.vector_load_idx %arg6[%xor3A_10] : memref<16xf32, #tpu.memory_space<vmem>>[vector<16xi32>], vector<16xf32>,
      %add3A_452 = arith.addf %add3A_448, %gather3A_451 : vector<16xf32>
      %mul3A_453 = arith.constant 2.000000e+00 : f32
      %mul3A_454 = vector.broadcast %mul3A_453 : f32 to vector<16xf32>
      %mul3A_455 = arith.mulf %mul3A_454, %add3A_452 : vector<16xf32>
      %mul3A_456 = arith.mulf %mul3A_455, %add3A_452 : vector<16xf32>
      %add3A_457 = arith.addf %add3A_439, %mul3A_456 : vector<16xf32>
      %mul3A_458 = arith.mulf %select_n3A_198, %select_n3A_198 : vector<16xf32>
      %swap3A_459 = arith.constant 0 : index
      %swap3A_460 = tpu.vector_load %arg6[%swap3A_459] {strides = array<i32>} : memref<16xf32, #tpu.memory_space<vmem>>, vector<16xf32>,
      tpu.vector_store %arg6[%swap3A_459], %mul3A_458 {strides = array<i32>} : memref<16xf32, #tpu.memory_space<vmem>>, vector<16xf32>,
      %gather3A_461 = tpu.vector_load_idx %arg6[%xor3A] : memref<16xf32, #tpu.memory_space<vmem>>[vector<16xi32>], vector<16xf32>,
      %add3A_462 = arith.addf %mul3A_458, %gather3A_461 : vector<16xf32>
      %swap3A_463 = arith.constant 0 : index
      %swap3A_464 = tpu.vector_load %arg6[%swap3A_463] {strides = array<i32>} : memref<16xf32, #tpu.memory_space<vmem>>, vector<16xf32>,
      tpu.vector_store %arg6[%swap3A_463], %add3A_462 {strides = array<i32>} : memref<16xf32, #tpu.memory_space<vmem>>, vector<16xf32>,
      %gather3A_465 = tpu.vector_load_idx %arg6[%xor3A_7] : memref<16xf32, #tpu.memory_space<vmem>>[vector<16xi32>], vector<16xf32>,
      %add3A_466 = arith.addf %add3A_462, %gather3A_465 : vector<16xf32>
      %swap3A_467 = arith.constant 0 : index
      %swap3A_468 = tpu.vector_load %arg6[%swap3A_467] {strides = array<i32>} : memref<16xf32, #tpu.memory_space<vmem>>, vector<16xf32>,
      tpu.vector_store %arg6[%swap3A_467], %add3A_466 {strides = array<i32>} : memref<16xf32, #tpu.memory_space<vmem>>, vector<16xf32>,
      %gather3A_469 = tpu.vector_load_idx %arg6[%xor3A_10] : memref<16xf32, #tpu.memory_space<vmem>>[vector<16xi32>], vector<16xf32>,
      %add3A_470 = arith.addf %add3A_466, %gather3A_469 : vector<16xf32>
      %sub3A_471 = arith.subf %add3A_470, %broadcast_in_dim3A_16 : vector<16xf32>
      %mul3A_472 = arith.mulf %sub3A_471, %sub3A_471 : vector<16xf32>
      %add3A_473 = arith.addf %add3A_457, %mul3A_472 : vector<16xf32>
      %mul3A_474 = arith.mulf %select_n3A_198, %select_n3A_293 : vector<16xf32>
      %swap3A_475 = arith.constant 0 : index
      %swap3A_476 = tpu.vector_load %arg6[%swap3A_475] {strides = array<i32>} : memref<16xf32, #tpu.memory_space<vmem>>, vector<16xf32>,
      tpu.vector_store %arg6[%swap3A_475], %mul3A_474 {strides = array<i32>} : memref<16xf32, #tpu.memory_space<vmem>>, vector<16xf32>,
      %gather3A_477 = tpu.vector_load_idx %arg6[%xor3A] : memref<16xf32, #tpu.memory_space<vmem>>[vector<16xi32>], vector<16xf32>,
      %add3A_478 = arith.addf %mul3A_474, %gather3A_477 : vector<16xf32>
      %swap3A_479 = arith.constant 0 : index
      %swap3A_480 = tpu.vector_load %arg6[%swap3A_479] {strides = array<i32>} : memref<16xf32, #tpu.memory_space<vmem>>, vector<16xf32>,
      tpu.vector_store %arg6[%swap3A_479], %add3A_478 {strides = array<i32>} : memref<16xf32, #tpu.memory_space<vmem>>, vector<16xf32>,
      %gather3A_481 = tpu.vector_load_idx %arg6[%xor3A_7] : memref<16xf32, #tpu.memory_space<vmem>>[vector<16xi32>], vector<16xf32>,
      %add3A_482 = arith.addf %add3A_478, %gather3A_481 : vector<16xf32>
      %swap3A_483 = arith.constant 0 : index
      %swap3A_484 = tpu.vector_load %arg6[%swap3A_483] {strides = array<i32>} : memref<16xf32, #tpu.memory_space<vmem>>, vector<16xf32>,
      tpu.vector_store %arg6[%swap3A_483], %add3A_482 {strides = array<i32>} : memref<16xf32, #tpu.memory_space<vmem>>, vector<16xf32>,
      %gather3A_485 = tpu.vector_load_idx %arg6[%xor3A_10] : memref<16xf32, #tpu.memory_space<vmem>>[vector<16xi32>], vector<16xf32>,
      %add3A_486 = arith.addf %add3A_482, %gather3A_485 : vector<16xf32>
      %mul3A_487 = arith.constant 2.000000e+00 : f32
      %mul3A_488 = vector.broadcast %mul3A_487 : f32 to vector<16xf32>
      %mul3A_489 = arith.mulf %mul3A_488, %add3A_486 : vector<16xf32>
      %mul3A_490 = arith.mulf %mul3A_489, %add3A_486 : vector<16xf32>
      %add3A_491 = arith.addf %add3A_473, %mul3A_490 : vector<16xf32>
      %mul3A_492 = arith.mulf %select_n3A_198, %select_n3A_388 : vector<16xf32>
      %swap3A_493 = arith.constant 0 : index
      %swap3A_494 = tpu.vector_load %arg6[%swap3A_493] {strides = array<i32>} : memref<16xf32, #tpu.memory_space<vmem>>, vector<16xf32>,
      tpu.vector_store %arg6[%swap3A_493], %mul3A_492 {strides = array<i32>} : memref<16xf32, #tpu.memory_space<vmem>>, vector<16xf32>,
      %gather3A_495 = tpu.vector_load_idx %arg6[%xor3A] : memref<16xf32, #tpu.memory_space<vmem>>[vector<16xi32>], vector<16xf32>,
      %add3A_496 = arith.addf %mul3A_492, %gather3A_495 : vector<16xf32>
      %swap3A_497 = arith.constant 0 : index
      %swap3A_498 = tpu.vector_load %arg6[%swap3A_497] {strides = array<i32>} : memref<16xf32, #tpu.memory_space<vmem>>, vector<16xf32>,
      tpu.vector_store %arg6[%swap3A_497], %add3A_496 {strides = array<i32>} : memref<16xf32, #tpu.memory_space<vmem>>, vector<16xf32>,
      %gather3A_499 = tpu.vector_load_idx %arg6[%xor3A_7] : memref<16xf32, #tpu.memory_space<vmem>>[vector<16xi32>], vector<16xf32>,
      %add3A_500 = arith.addf %add3A_496, %gather3A_499 : vector<16xf32>
      %swap3A_501 = arith.constant 0 : index
      %swap3A_502 = tpu.vector_load %arg6[%swap3A_501] {strides = array<i32>} : memref<16xf32, #tpu.memory_space<vmem>>, vector<16xf32>,
      tpu.vector_store %arg6[%swap3A_501], %add3A_500 {strides = array<i32>} : memref<16xf32, #tpu.memory_space<vmem>>, vector<16xf32>,
      %gather3A_503 = tpu.vector_load_idx %arg6[%xor3A_10] : memref<16xf32, #tpu.memory_space<vmem>>[vector<16xi32>], vector<16xf32>,
      %add3A_504 = arith.addf %add3A_500, %gather3A_503 : vector<16xf32>
      %mul3A_505 = arith.constant 2.000000e+00 : f32
      %mul3A_506 = vector.broadcast %mul3A_505 : f32 to vector<16xf32>
      %mul3A_507 = arith.mulf %mul3A_506, %add3A_504 : vector<16xf32>
      %mul3A_508 = arith.mulf %mul3A_507, %add3A_504 : vector<16xf32>
      %add3A_509 = arith.addf %add3A_491, %mul3A_508 : vector<16xf32>
      %mul3A_510 = arith.mulf %select_n3A_293, %select_n3A_293 : vector<16xf32>
      %swap3A_511 = arith.constant 0 : index
      %swap3A_512 = tpu.vector_load %arg6[%swap3A_511] {strides = array<i32>} : memref<16xf32, #tpu.memory_space<vmem>>, vector<16xf32>,
      tpu.vector_store %arg6[%swap3A_511], %mul3A_510 {strides = array<i32>} : memref<16xf32, #tpu.memory_space<vmem>>, vector<16xf32>,
      %gather3A_513 = tpu.vector_load_idx %arg6[%xor3A] : memref<16xf32, #tpu.memory_space<vmem>>[vector<16xi32>], vector<16xf32>,
      %add3A_514 = arith.addf %mul3A_510, %gather3A_513 : vector<16xf32>
      %swap3A_515 = arith.constant 0 : index
      %swap3A_516 = tpu.vector_load %arg6[%swap3A_515] {strides = array<i32>} : memref<16xf32, #tpu.memory_space<vmem>>, vector<16xf32>,
      tpu.vector_store %arg6[%swap3A_515], %add3A_514 {strides = array<i32>} : memref<16xf32, #tpu.memory_space<vmem>>, vector<16xf32>,
      %gather3A_517 = tpu.vector_load_idx %arg6[%xor3A_7] : memref<16xf32, #tpu.memory_space<vmem>>[vector<16xi32>], vector<16xf32>,
      %add3A_518 = arith.addf %add3A_514, %gather3A_517 : vector<16xf32>
      %swap3A_519 = arith.constant 0 : index
      %swap3A_520 = tpu.vector_load %arg6[%swap3A_519] {strides = array<i32>} : memref<16xf32, #tpu.memory_space<vmem>>, vector<16xf32>,
      tpu.vector_store %arg6[%swap3A_519], %add3A_518 {strides = array<i32>} : memref<16xf32, #tpu.memory_space<vmem>>, vector<16xf32>,
      %gather3A_521 = tpu.vector_load_idx %arg6[%xor3A_10] : memref<16xf32, #tpu.memory_space<vmem>>[vector<16xi32>], vector<16xf32>,
      %add3A_522 = arith.addf %add3A_518, %gather3A_521 : vector<16xf32>
      %sub3A_523 = arith.subf %add3A_522, %broadcast_in_dim3A_16 : vector<16xf32>
      %mul3A_524 = arith.mulf %sub3A_523, %sub3A_523 : vector<16xf32>
      %add3A_525 = arith.addf %add3A_509, %mul3A_524 : vector<16xf32>
      %mul3A_526 = arith.mulf %select_n3A_293, %select_n3A_388 : vector<16xf32>
      %swap3A_527 = arith.constant 0 : index
      %swap3A_528 = tpu.vector_load %arg6[%swap3A_527] {strides = array<i32>} : memref<16xf32, #tpu.memory_space<vmem>>, vector<16xf32>,
      tpu.vector_store %arg6[%swap3A_527], %mul3A_526 {strides = array<i32>} : memref<16xf32, #tpu.memory_space<vmem>>, vector<16xf32>,
      %gather3A_529 = tpu.vector_load_idx %arg6[%xor3A] : memref<16xf32, #tpu.memory_space<vmem>>[vector<16xi32>], vector<16xf32>,
      %add3A_530 = arith.addf %mul3A_526, %gather3A_529 : vector<16xf32>
      %swap3A_531 = arith.constant 0 : index
      %swap3A_532 = tpu.vector_load %arg6[%swap3A_531] {strides = array<i32>} : memref<16xf32, #tpu.memory_space<vmem>>, vector<16xf32>,
      tpu.vector_store %arg6[%swap3A_531], %add3A_530 {strides = array<i32>} : memref<16xf32, #tpu.memory_space<vmem>>, vector<16xf32>,
      %gather3A_533 = tpu.vector_load_idx %arg6[%xor3A_7] : memref<16xf32, #tpu.memory_space<vmem>>[vector<16xi32>], vector<16xf32>,
      %add3A_534 = arith.addf %add3A_530, %gather3A_533 : vector<16xf32>
      %swap3A_535 = arith.constant 0 : index
      %swap3A_536 = tpu.vector_load %arg6[%swap3A_535] {strides = array<i32>} : memref<16xf32, #tpu.memory_space<vmem>>, vector<16xf32>,
      tpu.vector_store %arg6[%swap3A_535], %add3A_534 {strides = array<i32>} : memref<16xf32, #tpu.memory_space<vmem>>, vector<16xf32>,
      %gather3A_537 = tpu.vector_load_idx %arg6[%xor3A_10] : memref<16xf32, #tpu.memory_space<vmem>>[vector<16xi32>], vector<16xf32>,
      %add3A_538 = arith.addf %add3A_534, %gather3A_537 : vector<16xf32>
      %mul3A_539 = arith.constant 2.000000e+00 : f32
      %mul3A_540 = vector.broadcast %mul3A_539 : f32 to vector<16xf32>
      %mul3A_541 = arith.mulf %mul3A_540, %add3A_538 : vector<16xf32>
      %mul3A_542 = arith.mulf %mul3A_541, %add3A_538 : vector<16xf32>
      %add3A_543 = arith.addf %add3A_525, %mul3A_542 : vector<16xf32>
      %mul3A_544 = arith.mulf %select_n3A_388, %select_n3A_388 : vector<16xf32>
      %swap3A_545 = arith.constant 0 : index
      %swap3A_546 = tpu.vector_load %arg6[%swap3A_545] {strides = array<i32>} : memref<16xf32, #tpu.memory_space<vmem>>, vector<16xf32>,
      tpu.vector_store %arg6[%swap3A_545], %mul3A_544 {strides = array<i32>} : memref<16xf32, #tpu.memory_space<vmem>>, vector<16xf32>,
      %gather3A_547 = tpu.vector_load_idx %arg6[%xor3A] : memref<16xf32, #tpu.memory_space<vmem>>[vector<16xi32>], vector<16xf32>,
      %add3A_548 = arith.addf %mul3A_544, %gather3A_547 : vector<16xf32>
      %swap3A_549 = arith.constant 0 : index
      %swap3A_550 = tpu.vector_load %arg6[%swap3A_549] {strides = array<i32>} : memref<16xf32, #tpu.memory_space<vmem>>, vector<16xf32>,
      tpu.vector_store %arg6[%swap3A_549], %add3A_548 {strides = array<i32>} : memref<16xf32, #tpu.memory_space<vmem>>, vector<16xf32>,
      %gather3A_551 = tpu.vector_load_idx %arg6[%xor3A_7] : memref<16xf32, #tpu.memory_space<vmem>>[vector<16xi32>], vector<16xf32>,
      %add3A_552 = arith.addf %add3A_548, %gather3A_551 : vector<16xf32>
      %swap3A_553 = arith.constant 0 : index
      %swap3A_554 = tpu.vector_load %arg6[%swap3A_553] {strides = array<i32>} : memref<16xf32, #tpu.memory_space<vmem>>, vector<16xf32>,
      tpu.vector_store %arg6[%swap3A_553], %add3A_552 {strides = array<i32>} : memref<16xf32, #tpu.memory_space<vmem>>, vector<16xf32>,
      %gather3A_555 = tpu.vector_load_idx %arg6[%xor3A_10] : memref<16xf32, #tpu.memory_space<vmem>>[vector<16xi32>], vector<16xf32>,
      %add3A_556 = arith.addf %add3A_552, %gather3A_555 : vector<16xf32>
      %sub3A_557 = arith.subf %add3A_556, %broadcast_in_dim3A_16 : vector<16xf32>
      %mul3A_558 = arith.mulf %sub3A_557, %sub3A_557 : vector<16xf32>
      %add3A_559 = arith.addf %add3A_543, %mul3A_558 : vector<16xf32>
      %swap3A_560 = arith.constant 0 : index
      %swap3A_561 = tpu.vector_load %arg5[%swap3A_560] {strides = array<i32>} : memref<16xf32, #tpu.memory_space<vmem>>, vector<16xf32>,
      tpu.vector_store %arg5[%swap3A_560], %add3A_559 {strides = array<i32>} : memref<16xf32, #tpu.memory_space<vmem>>, vector<16xf32>,
      "tpu.region"() ({
        %run_scoped3A = tpu.sem_alloc : memref<!tpu.dma_semaphore, #tpu.memory_space<semaphore_mem>>
        tpu.enqueue_dma source(%arg5 : memref<16xf32, #tpu.memory_space<vmem>>) target(%arg3 : memref<16xf32, #tpu.memory_space<hbm>>) target_semaphore(%run_scoped3A : memref<!tpu.dma_semaphore, #tpu.memory_space<semaphore_mem>>)
        tpu.wait_dma2 semaphore(%run_scoped3A : memref<!tpu.dma_semaphore, #tpu.memory_space<semaphore_mem>>) src(%arg5 : memref<16xf32, #tpu.memory_space<vmem>>) dst(%arg3 : memref<16xf32, #tpu.memory_space<hbm>>)
        tpu.yield
      }) : () -> ()
    } else {
    }
    return
  }
}

module attributes {stable_mosaic.version = 14 : i64} {
  func.func @_tc_body(%arg0: i32, %arg1: memref<4x8xf32, #tpu.memory_space<vmem>>, %arg2: memref<8x768x32xf32, #tpu.memory_space<vmem>>, %arg3: memref<8x32xf32, #tpu.memory_space<vmem>>, %arg4: memref<4x32x128xf32, #tpu.memory_space<vmem>>, %arg5: memref<1x128xf32, #tpu.memory_space<vmem>>, %arg6: memref<1x128xf32, #tpu.memory_space<vmem>>, %arg7: memref<1x1xf32, #tpu.memory_space<vmem>>, %arg8: memref<4096x768xf32, #tpu.memory_space<vmem>>, %arg9: memref<1x1x4096xf32, #tpu.memory_space<vmem>>, %arg10: memref<768x128xf32, #tpu.memory_space<vmem>>, %arg11: memref<1x128xf32, #tpu.memory_space<vmem>>) attributes {dimension_semantics = [#tpu.dimension_semantics<arbitrary>], iteration_bounds = array<i64: 8>, scalar_prefetch = 0 : i64, scratch_operands = 2 : i64, tpu.core_type = #tpu.core_type<tc>, window_params = [{pipeline_mode = #tpu.pipeline_mode<synchronous>, transform_indices = @transform_0, window_bounds = array<i64: 4, 8>}, {pipeline_mode = #tpu.pipeline_mode<synchronous>, transform_indices = @transform_1, window_bounds = array<i64: 8, 768, 32>}, {pipeline_mode = #tpu.pipeline_mode<synchronous>, transform_indices = @transform_2, window_bounds = array<i64: 8, 32>}, {pipeline_mode = #tpu.pipeline_mode<synchronous>, transform_indices = @transform_3, window_bounds = array<i64: 4, 32, 128>}, {pipeline_mode = #tpu.pipeline_mode<synchronous>, transform_indices = @transform_4, window_bounds = array<i64: 1, 128>}, {pipeline_mode = #tpu.pipeline_mode<synchronous>, transform_indices = @transform_5, window_bounds = array<i64: 1, 128>}, {pipeline_mode = #tpu.pipeline_mode<synchronous>, transform_indices = @transform_6, window_bounds = array<i64: 1, 1>}, {transform_indices = @transform_7, window_bounds = array<i64: 4096, 768>}, {transform_indices = @transform_8, window_bounds = array<i64: 1, 1, 4096>}]} {
    %eq3A = arith.constant 0 : i32
    %eq3A_0 = arith.cmpi eq, %arg0, %eq3A : i32
    %convert_element_type3A = arith.extui %eq3A_0 : i1 to i32
    %cond3A = arith.constant 0 : i32
    %cond3A_1 = arith.cmpi ne, %convert_element_type3A, %cond3A : i32
    scf.if %cond3A_1 {
      %get3A_32 = arith.constant 0 : index
      %get3A_33 = arith.constant 0 : index
      %get3A_34 = vector.load %arg1[%get3A_32, %get3A_33] : memref<4x8xf32, #tpu.memory_space<vmem>>, vector<4x8xf32>
      %iota3A = tpu.iota {dimensions = array<i32: 1>} : vector<4x8xi32>
      %reduce_max3A = arith.constant dense<0xFF800000> : vector<4xf32>
      %reduce_max3A_35 = vector.multi_reduction <maximumf>, %get3A_34, %reduce_max3A [1] : vector<4x8xf32> to vector<4xf32>
      %broadcast_in_dim3A = vector.shape_cast %reduce_max3A_35 : vector<4xf32> to vector<4x1xf32>
      %eq3A_36 = vector.broadcast %broadcast_in_dim3A : vector<4x1xf32> to vector<4x8xf32>
      %eq3A_37 = arith.cmpf oeq, %get3A_34, %eq3A_36 : vector<4x8xf32>
      %jit3A = arith.constant 8 : i32
      %broadcast_in_dim3A_38 = vector.broadcast %jit3A : i32 to vector<4x8xi32>
      %select_n3A = arith.select %eq3A_37, %iota3A, %broadcast_in_dim3A_38 : vector<4x8xi1>, vector<4x8xi32>
      %reduce_min3A = arith.constant dense<2147483647> : vector<4xi32>
      %reduce_min3A_39 = vector.multi_reduction <minsi>, %select_n3A, %reduce_min3A [1] : vector<4x8xi32> to vector<4xi32>
      %broadcast_in_dim3A_40 = vector.shape_cast %reduce_min3A_39 : vector<4xi32> to vector<4x1xi32>
      %eq3A_41 = vector.broadcast %broadcast_in_dim3A_40 : vector<4x1xi32> to vector<4x8xi32>
      %eq3A_42 = arith.cmpi eq, %iota3A, %eq3A_41 : vector<4x8xi32>
      %jit3A_43 = arith.constant 0xFF800000 : f32
      %broadcast_in_dim3A_44 = vector.broadcast %jit3A_43 : f32 to vector<4x8xf32>
      %select_n3A_45 = arith.select %eq3A_42, %broadcast_in_dim3A_44, %get3A_34 : vector<4x8xi1>, vector<4x8xf32>
      %reduce_max3A_46 = arith.constant dense<0xFF800000> : vector<4xf32>
      %reduce_max3A_47 = vector.multi_reduction <maximumf>, %select_n3A_45, %reduce_max3A_46 [1] : vector<4x8xf32> to vector<4xf32>
      %broadcast_in_dim3A_48 = vector.shape_cast %reduce_max3A_47 : vector<4xf32> to vector<4x1xf32>
      %eq3A_49 = vector.broadcast %broadcast_in_dim3A_48 : vector<4x1xf32> to vector<4x8xf32>
      %eq3A_50 = arith.cmpf oeq, %select_n3A_45, %eq3A_49 : vector<4x8xf32>
      %jit3A_51 = arith.constant 8 : i32
      %broadcast_in_dim3A_52 = vector.broadcast %jit3A_51 : i32 to vector<4x8xi32>
      %select_n3A_53 = arith.select %eq3A_50, %iota3A, %broadcast_in_dim3A_52 : vector<4x8xi1>, vector<4x8xi32>
      %reduce_min3A_54 = arith.constant dense<2147483647> : vector<4xi32>
      %reduce_min3A_55 = vector.multi_reduction <minsi>, %select_n3A_53, %reduce_min3A_54 [1] : vector<4x8xi32> to vector<4xi32>
      %broadcast_in_dim3A_56 = vector.shape_cast %reduce_min3A_55 : vector<4xi32> to vector<4x1xi32>
      %sub3A = arith.subf %broadcast_in_dim3A_48, %broadcast_in_dim3A : vector<4x1xf32>
      %exp3A_57 = math.exp %sub3A : vector<4x1xf32>
      %add3A_58 = arith.constant 1.000000e+00 : f32
      %add3A_59 = vector.broadcast %add3A_58 : f32 to vector<4x1xf32>
      %add3A_60 = arith.addf %add3A_59, %exp3A_57 : vector<4x1xf32>
      %div3A = arith.constant 1.000000e+00 : f32
      %div3A_61 = vector.broadcast %div3A : f32 to vector<4x1xf32>
      %div3A_62 = arith.divf %div3A_61, %add3A_60 : vector<4x1xf32>
      %div3A_63 = arith.divf %exp3A_57, %add3A_60 : vector<4x1xf32>
      %eq3A_64 = vector.broadcast %broadcast_in_dim3A_40 : vector<4x1xi32> to vector<4x8xi32>
      %eq3A_65 = arith.cmpi eq, %iota3A, %eq3A_64 : vector<4x8xi32>
      %convert_element_type3A_66 = arith.extui %eq3A_65 : vector<4x8xi1> to vector<4x8xi32>
      %convert_element_type3A_67 = arith.sitofp %convert_element_type3A_66 : vector<4x8xi32> to vector<4x8xf32>
      %mul3A = vector.broadcast %div3A_62 : vector<4x1xf32> to vector<4x8xf32>
      %mul3A_68 = arith.mulf %mul3A, %convert_element_type3A_67 : vector<4x8xf32>
      %eq3A_69 = vector.broadcast %broadcast_in_dim3A_56 : vector<4x1xi32> to vector<4x8xi32>
      %eq3A_70 = arith.cmpi eq, %iota3A, %eq3A_69 : vector<4x8xi32>
      %convert_element_type3A_71 = arith.extui %eq3A_70 : vector<4x8xi1> to vector<4x8xi32>
      %convert_element_type3A_72 = arith.sitofp %convert_element_type3A_71 : vector<4x8xi32> to vector<4x8xf32>
      %mul3A_73 = vector.broadcast %div3A_63 : vector<4x1xf32> to vector<4x8xf32>
      %mul3A_74 = arith.mulf %mul3A_73, %convert_element_type3A_72 : vector<4x8xf32>
      %add3A_75 = arith.addf %mul3A_68, %mul3A_74 : vector<4x8xf32>
      %broadcast_in_dim3A_76 = arith.constant 0.000000e+00 : f32
      %broadcast_in_dim3A_77 = vector.broadcast %broadcast_in_dim3A_76 : f32 to vector<768x128xf32>
      %get3A_78 = arith.constant 0 : index
      %get3A_79 = arith.constant 0 : index
      %get3A_80 = vector.load %arg5[%get3A_78, %get3A_79] : memref<1x128xf32, #tpu.memory_space<vmem>>, vector<1x128xf32>
      %broadcast_in_dim3A_81 = arith.constant 0.000000e+00 : f32
      %broadcast_in_dim3A_82 = vector.broadcast %broadcast_in_dim3A_81 : f32 to vector<32x128xf32>
      %slice3A = vector.extract_strided_slice %add3A_75 {offsets = [0, 0], sizes = [1, 1], strides = [1, 1]} : vector<4x8xf32> to vector<1x1xf32>
      %get3A_83 = arith.constant 0 : index
      %get3A_84 = arith.constant 0 : index
      %get3A_85 = arith.constant 0 : index
      %get3A_86 = vector.load %arg4[%get3A_83, %get3A_84, %get3A_85] : memref<4x32x128xf32, #tpu.memory_space<vmem>>, vector<1x32x128xf32>
      %get3A_87 = vector.shape_cast %get3A_86 : vector<1x32x128xf32> to vector<32x128xf32>
      %mul3A_88 = vector.broadcast %slice3A : vector<1x1xf32> to vector<32x128xf32>
      %mul3A_89 = arith.mulf %mul3A_88, %get3A_87 : vector<32x128xf32>
      %add3A_90 = arith.addf %broadcast_in_dim3A_82, %mul3A_89 : vector<32x128xf32>
      %slice3A_91 = vector.extract_strided_slice %add3A_75 {offsets = [1, 0], sizes = [1, 1], strides = [1, 1]} : vector<4x8xf32> to vector<1x1xf32>
      %get3A_92 = arith.constant 1 : index
      %get3A_93 = arith.constant 0 : index
      %get3A_94 = arith.constant 0 : index
      %get3A_95 = vector.load %arg4[%get3A_92, %get3A_93, %get3A_94] : memref<4x32x128xf32, #tpu.memory_space<vmem>>, vector<1x32x128xf32>
      %get3A_96 = vector.shape_cast %get3A_95 : vector<1x32x128xf32> to vector<32x128xf32>
      %mul3A_97 = vector.broadcast %slice3A_91 : vector<1x1xf32> to vector<32x128xf32>
      %mul3A_98 = arith.mulf %mul3A_97, %get3A_96 : vector<32x128xf32>
      %add3A_99 = arith.addf %add3A_90, %mul3A_98 : vector<32x128xf32>
      %slice3A_100 = vector.extract_strided_slice %add3A_75 {offsets = [2, 0], sizes = [1, 1], strides = [1, 1]} : vector<4x8xf32> to vector<1x1xf32>
      %get3A_101 = arith.constant 2 : index
      %get3A_102 = arith.constant 0 : index
      %get3A_103 = arith.constant 0 : index
      %get3A_104 = vector.load %arg4[%get3A_101, %get3A_102, %get3A_103] : memref<4x32x128xf32, #tpu.memory_space<vmem>>, vector<1x32x128xf32>
      %get3A_105 = vector.shape_cast %get3A_104 : vector<1x32x128xf32> to vector<32x128xf32>
      %mul3A_106 = vector.broadcast %slice3A_100 : vector<1x1xf32> to vector<32x128xf32>
      %mul3A_107 = arith.mulf %mul3A_106, %get3A_105 : vector<32x128xf32>
      %add3A_108 = arith.addf %add3A_99, %mul3A_107 : vector<32x128xf32>
      %slice3A_109 = vector.extract_strided_slice %add3A_75 {offsets = [3, 0], sizes = [1, 1], strides = [1, 1]} : vector<4x8xf32> to vector<1x1xf32>
      %get3A_110 = arith.constant 3 : index
      %get3A_111 = arith.constant 0 : index
      %get3A_112 = arith.constant 0 : index
      %get3A_113 = vector.load %arg4[%get3A_110, %get3A_111, %get3A_112] : memref<4x32x128xf32, #tpu.memory_space<vmem>>, vector<1x32x128xf32>
      %get3A_114 = vector.shape_cast %get3A_113 : vector<1x32x128xf32> to vector<32x128xf32>
      %mul3A_115 = vector.broadcast %slice3A_109 : vector<1x1xf32> to vector<32x128xf32>
      %mul3A_116 = arith.mulf %mul3A_115, %get3A_114 : vector<32x128xf32>
      %add3A_117 = arith.addf %add3A_108, %mul3A_116 : vector<32x128xf32>
      %get3A_118 = arith.constant 0 : index
      %get3A_119 = arith.constant 0 : index
      %get3A_120 = arith.constant 0 : index
      %get3A_121 = vector.load %arg2[%get3A_118, %get3A_119, %get3A_120] : memref<8x768x32xf32, #tpu.memory_space<vmem>>, vector<1x768x32xf32>
      %get3A_122 = vector.shape_cast %get3A_121 : vector<1x768x32xf32> to vector<768x32xf32>
      %dot_general3A_123 = arith.constant dense<0.000000e+00> : vector<768x128xf32>
      %dot_general3A_124 = tpu.matmul %get3A_122, %add3A_117, %dot_general3A_123 {dimension_numbers = #tpu.dot_dimension_numbers<[1], [0], [0], [1], [0, 0, 1, 1], [], []>, transpose_lhs_hint = false} : vector<768x32xf32>, vector<32x128xf32>, vector<768x128xf32> -> vector<768x128xf32>
      %add3A_125 = arith.addf %broadcast_in_dim3A_77, %dot_general3A_124 : vector<768x128xf32>
      %get3A_126 = arith.constant 0 : index
      %get3A_127 = arith.constant 0 : index
      %get3A_128 = vector.load %arg3[%get3A_126, %get3A_127] : memref<8x32xf32, #tpu.memory_space<vmem>>, vector<1x32xf32>
      %dot_general3A_129 = arith.constant dense<0.000000e+00> : vector<1x128xf32>
      %dot_general3A_130 = tpu.matmul %get3A_128, %add3A_117, %dot_general3A_129 {dimension_numbers = #tpu.dot_dimension_numbers<[1], [0], [0], [1], [0, 0, 1, 1], [], []>, transpose_lhs_hint = false} : vector<1x32xf32>, vector<32x128xf32>, vector<1x128xf32> -> vector<1x128xf32>
      %add3A_131 = arith.addf %get3A_80, %dot_general3A_130 : vector<1x128xf32>
      %broadcast_in_dim3A_132 = arith.constant 0.000000e+00 : f32
      %broadcast_in_dim3A_133 = vector.broadcast %broadcast_in_dim3A_132 : f32 to vector<32x128xf32>
      %slice3A_134 = vector.extract_strided_slice %add3A_75 {offsets = [0, 1], sizes = [1, 1], strides = [1, 1]} : vector<4x8xf32> to vector<1x1xf32>
      %get3A_135 = arith.constant 0 : index
      %get3A_136 = arith.constant 0 : index
      %get3A_137 = arith.constant 0 : index
      %get3A_138 = vector.load %arg4[%get3A_135, %get3A_136, %get3A_137] : memref<4x32x128xf32, #tpu.memory_space<vmem>>, vector<1x32x128xf32>
      %get3A_139 = vector.shape_cast %get3A_138 : vector<1x32x128xf32> to vector<32x128xf32>
      %mul3A_140 = vector.broadcast %slice3A_134 : vector<1x1xf32> to vector<32x128xf32>
      %mul3A_141 = arith.mulf %mul3A_140, %get3A_139 : vector<32x128xf32>
      %add3A_142 = arith.addf %broadcast_in_dim3A_133, %mul3A_141 : vector<32x128xf32>
      %slice3A_143 = vector.extract_strided_slice %add3A_75 {offsets = [1, 1], sizes = [1, 1], strides = [1, 1]} : vector<4x8xf32> to vector<1x1xf32>
      %get3A_144 = arith.constant 1 : index
      %get3A_145 = arith.constant 0 : index
      %get3A_146 = arith.constant 0 : index
      %get3A_147 = vector.load %arg4[%get3A_144, %get3A_145, %get3A_146] : memref<4x32x128xf32, #tpu.memory_space<vmem>>, vector<1x32x128xf32>
      %get3A_148 = vector.shape_cast %get3A_147 : vector<1x32x128xf32> to vector<32x128xf32>
      %mul3A_149 = vector.broadcast %slice3A_143 : vector<1x1xf32> to vector<32x128xf32>
      %mul3A_150 = arith.mulf %mul3A_149, %get3A_148 : vector<32x128xf32>
      %add3A_151 = arith.addf %add3A_142, %mul3A_150 : vector<32x128xf32>
      %slice3A_152 = vector.extract_strided_slice %add3A_75 {offsets = [2, 1], sizes = [1, 1], strides = [1, 1]} : vector<4x8xf32> to vector<1x1xf32>
      %get3A_153 = arith.constant 2 : index
      %get3A_154 = arith.constant 0 : index
      %get3A_155 = arith.constant 0 : index
      %get3A_156 = vector.load %arg4[%get3A_153, %get3A_154, %get3A_155] : memref<4x32x128xf32, #tpu.memory_space<vmem>>, vector<1x32x128xf32>
      %get3A_157 = vector.shape_cast %get3A_156 : vector<1x32x128xf32> to vector<32x128xf32>
      %mul3A_158 = vector.broadcast %slice3A_152 : vector<1x1xf32> to vector<32x128xf32>
      %mul3A_159 = arith.mulf %mul3A_158, %get3A_157 : vector<32x128xf32>
      %add3A_160 = arith.addf %add3A_151, %mul3A_159 : vector<32x128xf32>
      %slice3A_161 = vector.extract_strided_slice %add3A_75 {offsets = [3, 1], sizes = [1, 1], strides = [1, 1]} : vector<4x8xf32> to vector<1x1xf32>
      %get3A_162 = arith.constant 3 : index
      %get3A_163 = arith.constant 0 : index
      %get3A_164 = arith.constant 0 : index
      %get3A_165 = vector.load %arg4[%get3A_162, %get3A_163, %get3A_164] : memref<4x32x128xf32, #tpu.memory_space<vmem>>, vector<1x32x128xf32>
      %get3A_166 = vector.shape_cast %get3A_165 : vector<1x32x128xf32> to vector<32x128xf32>
      %mul3A_167 = vector.broadcast %slice3A_161 : vector<1x1xf32> to vector<32x128xf32>
      %mul3A_168 = arith.mulf %mul3A_167, %get3A_166 : vector<32x128xf32>
      %add3A_169 = arith.addf %add3A_160, %mul3A_168 : vector<32x128xf32>
      %get3A_170 = arith.constant 1 : index
      %get3A_171 = arith.constant 0 : index
      %get3A_172 = arith.constant 0 : index
      %get3A_173 = vector.load %arg2[%get3A_170, %get3A_171, %get3A_172] : memref<8x768x32xf32, #tpu.memory_space<vmem>>, vector<1x768x32xf32>
      %get3A_174 = vector.shape_cast %get3A_173 : vector<1x768x32xf32> to vector<768x32xf32>
      %dot_general3A_175 = arith.constant dense<0.000000e+00> : vector<768x128xf32>
      %dot_general3A_176 = tpu.matmul %get3A_174, %add3A_169, %dot_general3A_175 {dimension_numbers = #tpu.dot_dimension_numbers<[1], [0], [0], [1], [0, 0, 1, 1], [], []>, transpose_lhs_hint = false} : vector<768x32xf32>, vector<32x128xf32>, vector<768x128xf32> -> vector<768x128xf32>
      %add3A_177 = arith.addf %add3A_125, %dot_general3A_176 : vector<768x128xf32>
      %get3A_178 = arith.constant 1 : index
      %get3A_179 = arith.constant 0 : index
      %get3A_180 = vector.load %arg3[%get3A_178, %get3A_179] : memref<8x32xf32, #tpu.memory_space<vmem>>, vector<1x32xf32>
      %dot_general3A_181 = arith.constant dense<0.000000e+00> : vector<1x128xf32>
      %dot_general3A_182 = tpu.matmul %get3A_180, %add3A_169, %dot_general3A_181 {dimension_numbers = #tpu.dot_dimension_numbers<[1], [0], [0], [1], [0, 0, 1, 1], [], []>, transpose_lhs_hint = false} : vector<1x32xf32>, vector<32x128xf32>, vector<1x128xf32> -> vector<1x128xf32>
      %add3A_183 = arith.addf %add3A_131, %dot_general3A_182 : vector<1x128xf32>
      %broadcast_in_dim3A_184 = arith.constant 0.000000e+00 : f32
      %broadcast_in_dim3A_185 = vector.broadcast %broadcast_in_dim3A_184 : f32 to vector<32x128xf32>
      %slice3A_186 = vector.extract_strided_slice %add3A_75 {offsets = [0, 2], sizes = [1, 1], strides = [1, 1]} : vector<4x8xf32> to vector<1x1xf32>
      %get3A_187 = arith.constant 0 : index
      %get3A_188 = arith.constant 0 : index
      %get3A_189 = arith.constant 0 : index
      %get3A_190 = vector.load %arg4[%get3A_187, %get3A_188, %get3A_189] : memref<4x32x128xf32, #tpu.memory_space<vmem>>, vector<1x32x128xf32>
      %get3A_191 = vector.shape_cast %get3A_190 : vector<1x32x128xf32> to vector<32x128xf32>
      %mul3A_192 = vector.broadcast %slice3A_186 : vector<1x1xf32> to vector<32x128xf32>
      %mul3A_193 = arith.mulf %mul3A_192, %get3A_191 : vector<32x128xf32>
      %add3A_194 = arith.addf %broadcast_in_dim3A_185, %mul3A_193 : vector<32x128xf32>
      %slice3A_195 = vector.extract_strided_slice %add3A_75 {offsets = [1, 2], sizes = [1, 1], strides = [1, 1]} : vector<4x8xf32> to vector<1x1xf32>
      %get3A_196 = arith.constant 1 : index
      %get3A_197 = arith.constant 0 : index
      %get3A_198 = arith.constant 0 : index
      %get3A_199 = vector.load %arg4[%get3A_196, %get3A_197, %get3A_198] : memref<4x32x128xf32, #tpu.memory_space<vmem>>, vector<1x32x128xf32>
      %get3A_200 = vector.shape_cast %get3A_199 : vector<1x32x128xf32> to vector<32x128xf32>
      %mul3A_201 = vector.broadcast %slice3A_195 : vector<1x1xf32> to vector<32x128xf32>
      %mul3A_202 = arith.mulf %mul3A_201, %get3A_200 : vector<32x128xf32>
      %add3A_203 = arith.addf %add3A_194, %mul3A_202 : vector<32x128xf32>
      %slice3A_204 = vector.extract_strided_slice %add3A_75 {offsets = [2, 2], sizes = [1, 1], strides = [1, 1]} : vector<4x8xf32> to vector<1x1xf32>
      %get3A_205 = arith.constant 2 : index
      %get3A_206 = arith.constant 0 : index
      %get3A_207 = arith.constant 0 : index
      %get3A_208 = vector.load %arg4[%get3A_205, %get3A_206, %get3A_207] : memref<4x32x128xf32, #tpu.memory_space<vmem>>, vector<1x32x128xf32>
      %get3A_209 = vector.shape_cast %get3A_208 : vector<1x32x128xf32> to vector<32x128xf32>
      %mul3A_210 = vector.broadcast %slice3A_204 : vector<1x1xf32> to vector<32x128xf32>
      %mul3A_211 = arith.mulf %mul3A_210, %get3A_209 : vector<32x128xf32>
      %add3A_212 = arith.addf %add3A_203, %mul3A_211 : vector<32x128xf32>
      %slice3A_213 = vector.extract_strided_slice %add3A_75 {offsets = [3, 2], sizes = [1, 1], strides = [1, 1]} : vector<4x8xf32> to vector<1x1xf32>
      %get3A_214 = arith.constant 3 : index
      %get3A_215 = arith.constant 0 : index
      %get3A_216 = arith.constant 0 : index
      %get3A_217 = vector.load %arg4[%get3A_214, %get3A_215, %get3A_216] : memref<4x32x128xf32, #tpu.memory_space<vmem>>, vector<1x32x128xf32>
      %get3A_218 = vector.shape_cast %get3A_217 : vector<1x32x128xf32> to vector<32x128xf32>
      %mul3A_219 = vector.broadcast %slice3A_213 : vector<1x1xf32> to vector<32x128xf32>
      %mul3A_220 = arith.mulf %mul3A_219, %get3A_218 : vector<32x128xf32>
      %add3A_221 = arith.addf %add3A_212, %mul3A_220 : vector<32x128xf32>
      %get3A_222 = arith.constant 2 : index
      %get3A_223 = arith.constant 0 : index
      %get3A_224 = arith.constant 0 : index
      %get3A_225 = vector.load %arg2[%get3A_222, %get3A_223, %get3A_224] : memref<8x768x32xf32, #tpu.memory_space<vmem>>, vector<1x768x32xf32>
      %get3A_226 = vector.shape_cast %get3A_225 : vector<1x768x32xf32> to vector<768x32xf32>
      %dot_general3A_227 = arith.constant dense<0.000000e+00> : vector<768x128xf32>
      %dot_general3A_228 = tpu.matmul %get3A_226, %add3A_221, %dot_general3A_227 {dimension_numbers = #tpu.dot_dimension_numbers<[1], [0], [0], [1], [0, 0, 1, 1], [], []>, transpose_lhs_hint = false} : vector<768x32xf32>, vector<32x128xf32>, vector<768x128xf32> -> vector<768x128xf32>
      %add3A_229 = arith.addf %add3A_177, %dot_general3A_228 : vector<768x128xf32>
      %get3A_230 = arith.constant 2 : index
      %get3A_231 = arith.constant 0 : index
      %get3A_232 = vector.load %arg3[%get3A_230, %get3A_231] : memref<8x32xf32, #tpu.memory_space<vmem>>, vector<1x32xf32>
      %dot_general3A_233 = arith.constant dense<0.000000e+00> : vector<1x128xf32>
      %dot_general3A_234 = tpu.matmul %get3A_232, %add3A_221, %dot_general3A_233 {dimension_numbers = #tpu.dot_dimension_numbers<[1], [0], [0], [1], [0, 0, 1, 1], [], []>, transpose_lhs_hint = false} : vector<1x32xf32>, vector<32x128xf32>, vector<1x128xf32> -> vector<1x128xf32>
      %add3A_235 = arith.addf %add3A_183, %dot_general3A_234 : vector<1x128xf32>
      %broadcast_in_dim3A_236 = arith.constant 0.000000e+00 : f32
      %broadcast_in_dim3A_237 = vector.broadcast %broadcast_in_dim3A_236 : f32 to vector<32x128xf32>
      %slice3A_238 = vector.extract_strided_slice %add3A_75 {offsets = [0, 3], sizes = [1, 1], strides = [1, 1]} : vector<4x8xf32> to vector<1x1xf32>
      %get3A_239 = arith.constant 0 : index
      %get3A_240 = arith.constant 0 : index
      %get3A_241 = arith.constant 0 : index
      %get3A_242 = vector.load %arg4[%get3A_239, %get3A_240, %get3A_241] : memref<4x32x128xf32, #tpu.memory_space<vmem>>, vector<1x32x128xf32>
      %get3A_243 = vector.shape_cast %get3A_242 : vector<1x32x128xf32> to vector<32x128xf32>
      %mul3A_244 = vector.broadcast %slice3A_238 : vector<1x1xf32> to vector<32x128xf32>
      %mul3A_245 = arith.mulf %mul3A_244, %get3A_243 : vector<32x128xf32>
      %add3A_246 = arith.addf %broadcast_in_dim3A_237, %mul3A_245 : vector<32x128xf32>
      %slice3A_247 = vector.extract_strided_slice %add3A_75 {offsets = [1, 3], sizes = [1, 1], strides = [1, 1]} : vector<4x8xf32> to vector<1x1xf32>
      %get3A_248 = arith.constant 1 : index
      %get3A_249 = arith.constant 0 : index
      %get3A_250 = arith.constant 0 : index
      %get3A_251 = vector.load %arg4[%get3A_248, %get3A_249, %get3A_250] : memref<4x32x128xf32, #tpu.memory_space<vmem>>, vector<1x32x128xf32>
      %get3A_252 = vector.shape_cast %get3A_251 : vector<1x32x128xf32> to vector<32x128xf32>
      %mul3A_253 = vector.broadcast %slice3A_247 : vector<1x1xf32> to vector<32x128xf32>
      %mul3A_254 = arith.mulf %mul3A_253, %get3A_252 : vector<32x128xf32>
      %add3A_255 = arith.addf %add3A_246, %mul3A_254 : vector<32x128xf32>
      %slice3A_256 = vector.extract_strided_slice %add3A_75 {offsets = [2, 3], sizes = [1, 1], strides = [1, 1]} : vector<4x8xf32> to vector<1x1xf32>
      %get3A_257 = arith.constant 2 : index
      %get3A_258 = arith.constant 0 : index
      %get3A_259 = arith.constant 0 : index
      %get3A_260 = vector.load %arg4[%get3A_257, %get3A_258, %get3A_259] : memref<4x32x128xf32, #tpu.memory_space<vmem>>, vector<1x32x128xf32>
      %get3A_261 = vector.shape_cast %get3A_260 : vector<1x32x128xf32> to vector<32x128xf32>
      %mul3A_262 = vector.broadcast %slice3A_256 : vector<1x1xf32> to vector<32x128xf32>
      %mul3A_263 = arith.mulf %mul3A_262, %get3A_261 : vector<32x128xf32>
      %add3A_264 = arith.addf %add3A_255, %mul3A_263 : vector<32x128xf32>
      %slice3A_265 = vector.extract_strided_slice %add3A_75 {offsets = [3, 3], sizes = [1, 1], strides = [1, 1]} : vector<4x8xf32> to vector<1x1xf32>
      %get3A_266 = arith.constant 3 : index
      %get3A_267 = arith.constant 0 : index
      %get3A_268 = arith.constant 0 : index
      %get3A_269 = vector.load %arg4[%get3A_266, %get3A_267, %get3A_268] : memref<4x32x128xf32, #tpu.memory_space<vmem>>, vector<1x32x128xf32>
      %get3A_270 = vector.shape_cast %get3A_269 : vector<1x32x128xf32> to vector<32x128xf32>
      %mul3A_271 = vector.broadcast %slice3A_265 : vector<1x1xf32> to vector<32x128xf32>
      %mul3A_272 = arith.mulf %mul3A_271, %get3A_270 : vector<32x128xf32>
      %add3A_273 = arith.addf %add3A_264, %mul3A_272 : vector<32x128xf32>
      %get3A_274 = arith.constant 3 : index
      %get3A_275 = arith.constant 0 : index
      %get3A_276 = arith.constant 0 : index
      %get3A_277 = vector.load %arg2[%get3A_274, %get3A_275, %get3A_276] : memref<8x768x32xf32, #tpu.memory_space<vmem>>, vector<1x768x32xf32>
      %get3A_278 = vector.shape_cast %get3A_277 : vector<1x768x32xf32> to vector<768x32xf32>
      %dot_general3A_279 = arith.constant dense<0.000000e+00> : vector<768x128xf32>
      %dot_general3A_280 = tpu.matmul %get3A_278, %add3A_273, %dot_general3A_279 {dimension_numbers = #tpu.dot_dimension_numbers<[1], [0], [0], [1], [0, 0, 1, 1], [], []>, transpose_lhs_hint = false} : vector<768x32xf32>, vector<32x128xf32>, vector<768x128xf32> -> vector<768x128xf32>
      %add3A_281 = arith.addf %add3A_229, %dot_general3A_280 : vector<768x128xf32>
      %get3A_282 = arith.constant 3 : index
      %get3A_283 = arith.constant 0 : index
      %get3A_284 = vector.load %arg3[%get3A_282, %get3A_283] : memref<8x32xf32, #tpu.memory_space<vmem>>, vector<1x32xf32>
      %dot_general3A_285 = arith.constant dense<0.000000e+00> : vector<1x128xf32>
      %dot_general3A_286 = tpu.matmul %get3A_284, %add3A_273, %dot_general3A_285 {dimension_numbers = #tpu.dot_dimension_numbers<[1], [0], [0], [1], [0, 0, 1, 1], [], []>, transpose_lhs_hint = false} : vector<1x32xf32>, vector<32x128xf32>, vector<1x128xf32> -> vector<1x128xf32>
      %add3A_287 = arith.addf %add3A_235, %dot_general3A_286 : vector<1x128xf32>
      %broadcast_in_dim3A_288 = arith.constant 0.000000e+00 : f32
      %broadcast_in_dim3A_289 = vector.broadcast %broadcast_in_dim3A_288 : f32 to vector<32x128xf32>
      %slice3A_290 = vector.extract_strided_slice %add3A_75 {offsets = [0, 4], sizes = [1, 1], strides = [1, 1]} : vector<4x8xf32> to vector<1x1xf32>
      %get3A_291 = arith.constant 0 : index
      %get3A_292 = arith.constant 0 : index
      %get3A_293 = arith.constant 0 : index
      %get3A_294 = vector.load %arg4[%get3A_291, %get3A_292, %get3A_293] : memref<4x32x128xf32, #tpu.memory_space<vmem>>, vector<1x32x128xf32>
      %get3A_295 = vector.shape_cast %get3A_294 : vector<1x32x128xf32> to vector<32x128xf32>
      %mul3A_296 = vector.broadcast %slice3A_290 : vector<1x1xf32> to vector<32x128xf32>
      %mul3A_297 = arith.mulf %mul3A_296, %get3A_295 : vector<32x128xf32>
      %add3A_298 = arith.addf %broadcast_in_dim3A_289, %mul3A_297 : vector<32x128xf32>
      %slice3A_299 = vector.extract_strided_slice %add3A_75 {offsets = [1, 4], sizes = [1, 1], strides = [1, 1]} : vector<4x8xf32> to vector<1x1xf32>
      %get3A_300 = arith.constant 1 : index
      %get3A_301 = arith.constant 0 : index
      %get3A_302 = arith.constant 0 : index
      %get3A_303 = vector.load %arg4[%get3A_300, %get3A_301, %get3A_302] : memref<4x32x128xf32, #tpu.memory_space<vmem>>, vector<1x32x128xf32>
      %get3A_304 = vector.shape_cast %get3A_303 : vector<1x32x128xf32> to vector<32x128xf32>
      %mul3A_305 = vector.broadcast %slice3A_299 : vector<1x1xf32> to vector<32x128xf32>
      %mul3A_306 = arith.mulf %mul3A_305, %get3A_304 : vector<32x128xf32>
      %add3A_307 = arith.addf %add3A_298, %mul3A_306 : vector<32x128xf32>
      %slice3A_308 = vector.extract_strided_slice %add3A_75 {offsets = [2, 4], sizes = [1, 1], strides = [1, 1]} : vector<4x8xf32> to vector<1x1xf32>
      %get3A_309 = arith.constant 2 : index
      %get3A_310 = arith.constant 0 : index
      %get3A_311 = arith.constant 0 : index
      %get3A_312 = vector.load %arg4[%get3A_309, %get3A_310, %get3A_311] : memref<4x32x128xf32, #tpu.memory_space<vmem>>, vector<1x32x128xf32>
      %get3A_313 = vector.shape_cast %get3A_312 : vector<1x32x128xf32> to vector<32x128xf32>
      %mul3A_314 = vector.broadcast %slice3A_308 : vector<1x1xf32> to vector<32x128xf32>
      %mul3A_315 = arith.mulf %mul3A_314, %get3A_313 : vector<32x128xf32>
      %add3A_316 = arith.addf %add3A_307, %mul3A_315 : vector<32x128xf32>
      %slice3A_317 = vector.extract_strided_slice %add3A_75 {offsets = [3, 4], sizes = [1, 1], strides = [1, 1]} : vector<4x8xf32> to vector<1x1xf32>
      %get3A_318 = arith.constant 3 : index
      %get3A_319 = arith.constant 0 : index
      %get3A_320 = arith.constant 0 : index
      %get3A_321 = vector.load %arg4[%get3A_318, %get3A_319, %get3A_320] : memref<4x32x128xf32, #tpu.memory_space<vmem>>, vector<1x32x128xf32>
      %get3A_322 = vector.shape_cast %get3A_321 : vector<1x32x128xf32> to vector<32x128xf32>
      %mul3A_323 = vector.broadcast %slice3A_317 : vector<1x1xf32> to vector<32x128xf32>
      %mul3A_324 = arith.mulf %mul3A_323, %get3A_322 : vector<32x128xf32>
      %add3A_325 = arith.addf %add3A_316, %mul3A_324 : vector<32x128xf32>
      %get3A_326 = arith.constant 4 : index
      %get3A_327 = arith.constant 0 : index
      %get3A_328 = arith.constant 0 : index
      %get3A_329 = vector.load %arg2[%get3A_326, %get3A_327, %get3A_328] : memref<8x768x32xf32, #tpu.memory_space<vmem>>, vector<1x768x32xf32>
      %get3A_330 = vector.shape_cast %get3A_329 : vector<1x768x32xf32> to vector<768x32xf32>
      %dot_general3A_331 = arith.constant dense<0.000000e+00> : vector<768x128xf32>
      %dot_general3A_332 = tpu.matmul %get3A_330, %add3A_325, %dot_general3A_331 {dimension_numbers = #tpu.dot_dimension_numbers<[1], [0], [0], [1], [0, 0, 1, 1], [], []>, transpose_lhs_hint = false} : vector<768x32xf32>, vector<32x128xf32>, vector<768x128xf32> -> vector<768x128xf32>
      %add3A_333 = arith.addf %add3A_281, %dot_general3A_332 : vector<768x128xf32>
      %get3A_334 = arith.constant 4 : index
      %get3A_335 = arith.constant 0 : index
      %get3A_336 = vector.load %arg3[%get3A_334, %get3A_335] : memref<8x32xf32, #tpu.memory_space<vmem>>, vector<1x32xf32>
      %dot_general3A_337 = arith.constant dense<0.000000e+00> : vector<1x128xf32>
      %dot_general3A_338 = tpu.matmul %get3A_336, %add3A_325, %dot_general3A_337 {dimension_numbers = #tpu.dot_dimension_numbers<[1], [0], [0], [1], [0, 0, 1, 1], [], []>, transpose_lhs_hint = false} : vector<1x32xf32>, vector<32x128xf32>, vector<1x128xf32> -> vector<1x128xf32>
      %add3A_339 = arith.addf %add3A_287, %dot_general3A_338 : vector<1x128xf32>
      %broadcast_in_dim3A_340 = arith.constant 0.000000e+00 : f32
      %broadcast_in_dim3A_341 = vector.broadcast %broadcast_in_dim3A_340 : f32 to vector<32x128xf32>
      %slice3A_342 = vector.extract_strided_slice %add3A_75 {offsets = [0, 5], sizes = [1, 1], strides = [1, 1]} : vector<4x8xf32> to vector<1x1xf32>
      %get3A_343 = arith.constant 0 : index
      %get3A_344 = arith.constant 0 : index
      %get3A_345 = arith.constant 0 : index
      %get3A_346 = vector.load %arg4[%get3A_343, %get3A_344, %get3A_345] : memref<4x32x128xf32, #tpu.memory_space<vmem>>, vector<1x32x128xf32>
      %get3A_347 = vector.shape_cast %get3A_346 : vector<1x32x128xf32> to vector<32x128xf32>
      %mul3A_348 = vector.broadcast %slice3A_342 : vector<1x1xf32> to vector<32x128xf32>
      %mul3A_349 = arith.mulf %mul3A_348, %get3A_347 : vector<32x128xf32>
      %add3A_350 = arith.addf %broadcast_in_dim3A_341, %mul3A_349 : vector<32x128xf32>
      %slice3A_351 = vector.extract_strided_slice %add3A_75 {offsets = [1, 5], sizes = [1, 1], strides = [1, 1]} : vector<4x8xf32> to vector<1x1xf32>
      %get3A_352 = arith.constant 1 : index
      %get3A_353 = arith.constant 0 : index
      %get3A_354 = arith.constant 0 : index
      %get3A_355 = vector.load %arg4[%get3A_352, %get3A_353, %get3A_354] : memref<4x32x128xf32, #tpu.memory_space<vmem>>, vector<1x32x128xf32>
      %get3A_356 = vector.shape_cast %get3A_355 : vector<1x32x128xf32> to vector<32x128xf32>
      %mul3A_357 = vector.broadcast %slice3A_351 : vector<1x1xf32> to vector<32x128xf32>
      %mul3A_358 = arith.mulf %mul3A_357, %get3A_356 : vector<32x128xf32>
      %add3A_359 = arith.addf %add3A_350, %mul3A_358 : vector<32x128xf32>
      %slice3A_360 = vector.extract_strided_slice %add3A_75 {offsets = [2, 5], sizes = [1, 1], strides = [1, 1]} : vector<4x8xf32> to vector<1x1xf32>
      %get3A_361 = arith.constant 2 : index
      %get3A_362 = arith.constant 0 : index
      %get3A_363 = arith.constant 0 : index
      %get3A_364 = vector.load %arg4[%get3A_361, %get3A_362, %get3A_363] : memref<4x32x128xf32, #tpu.memory_space<vmem>>, vector<1x32x128xf32>
      %get3A_365 = vector.shape_cast %get3A_364 : vector<1x32x128xf32> to vector<32x128xf32>
      %mul3A_366 = vector.broadcast %slice3A_360 : vector<1x1xf32> to vector<32x128xf32>
      %mul3A_367 = arith.mulf %mul3A_366, %get3A_365 : vector<32x128xf32>
      %add3A_368 = arith.addf %add3A_359, %mul3A_367 : vector<32x128xf32>
      %slice3A_369 = vector.extract_strided_slice %add3A_75 {offsets = [3, 5], sizes = [1, 1], strides = [1, 1]} : vector<4x8xf32> to vector<1x1xf32>
      %get3A_370 = arith.constant 3 : index
      %get3A_371 = arith.constant 0 : index
      %get3A_372 = arith.constant 0 : index
      %get3A_373 = vector.load %arg4[%get3A_370, %get3A_371, %get3A_372] : memref<4x32x128xf32, #tpu.memory_space<vmem>>, vector<1x32x128xf32>
      %get3A_374 = vector.shape_cast %get3A_373 : vector<1x32x128xf32> to vector<32x128xf32>
      %mul3A_375 = vector.broadcast %slice3A_369 : vector<1x1xf32> to vector<32x128xf32>
      %mul3A_376 = arith.mulf %mul3A_375, %get3A_374 : vector<32x128xf32>
      %add3A_377 = arith.addf %add3A_368, %mul3A_376 : vector<32x128xf32>
      %get3A_378 = arith.constant 5 : index
      %get3A_379 = arith.constant 0 : index
      %get3A_380 = arith.constant 0 : index
      %get3A_381 = vector.load %arg2[%get3A_378, %get3A_379, %get3A_380] : memref<8x768x32xf32, #tpu.memory_space<vmem>>, vector<1x768x32xf32>
      %get3A_382 = vector.shape_cast %get3A_381 : vector<1x768x32xf32> to vector<768x32xf32>
      %dot_general3A_383 = arith.constant dense<0.000000e+00> : vector<768x128xf32>
      %dot_general3A_384 = tpu.matmul %get3A_382, %add3A_377, %dot_general3A_383 {dimension_numbers = #tpu.dot_dimension_numbers<[1], [0], [0], [1], [0, 0, 1, 1], [], []>, transpose_lhs_hint = false} : vector<768x32xf32>, vector<32x128xf32>, vector<768x128xf32> -> vector<768x128xf32>
      %add3A_385 = arith.addf %add3A_333, %dot_general3A_384 : vector<768x128xf32>
      %get3A_386 = arith.constant 5 : index
      %get3A_387 = arith.constant 0 : index
      %get3A_388 = vector.load %arg3[%get3A_386, %get3A_387] : memref<8x32xf32, #tpu.memory_space<vmem>>, vector<1x32xf32>
      %dot_general3A_389 = arith.constant dense<0.000000e+00> : vector<1x128xf32>
      %dot_general3A_390 = tpu.matmul %get3A_388, %add3A_377, %dot_general3A_389 {dimension_numbers = #tpu.dot_dimension_numbers<[1], [0], [0], [1], [0, 0, 1, 1], [], []>, transpose_lhs_hint = false} : vector<1x32xf32>, vector<32x128xf32>, vector<1x128xf32> -> vector<1x128xf32>
      %add3A_391 = arith.addf %add3A_339, %dot_general3A_390 : vector<1x128xf32>
      %broadcast_in_dim3A_392 = arith.constant 0.000000e+00 : f32
      %broadcast_in_dim3A_393 = vector.broadcast %broadcast_in_dim3A_392 : f32 to vector<32x128xf32>
      %slice3A_394 = vector.extract_strided_slice %add3A_75 {offsets = [0, 6], sizes = [1, 1], strides = [1, 1]} : vector<4x8xf32> to vector<1x1xf32>
      %get3A_395 = arith.constant 0 : index
      %get3A_396 = arith.constant 0 : index
      %get3A_397 = arith.constant 0 : index
      %get3A_398 = vector.load %arg4[%get3A_395, %get3A_396, %get3A_397] : memref<4x32x128xf32, #tpu.memory_space<vmem>>, vector<1x32x128xf32>
      %get3A_399 = vector.shape_cast %get3A_398 : vector<1x32x128xf32> to vector<32x128xf32>
      %mul3A_400 = vector.broadcast %slice3A_394 : vector<1x1xf32> to vector<32x128xf32>
      %mul3A_401 = arith.mulf %mul3A_400, %get3A_399 : vector<32x128xf32>
      %add3A_402 = arith.addf %broadcast_in_dim3A_393, %mul3A_401 : vector<32x128xf32>
      %slice3A_403 = vector.extract_strided_slice %add3A_75 {offsets = [1, 6], sizes = [1, 1], strides = [1, 1]} : vector<4x8xf32> to vector<1x1xf32>
      %get3A_404 = arith.constant 1 : index
      %get3A_405 = arith.constant 0 : index
      %get3A_406 = arith.constant 0 : index
      %get3A_407 = vector.load %arg4[%get3A_404, %get3A_405, %get3A_406] : memref<4x32x128xf32, #tpu.memory_space<vmem>>, vector<1x32x128xf32>
      %get3A_408 = vector.shape_cast %get3A_407 : vector<1x32x128xf32> to vector<32x128xf32>
      %mul3A_409 = vector.broadcast %slice3A_403 : vector<1x1xf32> to vector<32x128xf32>
      %mul3A_410 = arith.mulf %mul3A_409, %get3A_408 : vector<32x128xf32>
      %add3A_411 = arith.addf %add3A_402, %mul3A_410 : vector<32x128xf32>
      %slice3A_412 = vector.extract_strided_slice %add3A_75 {offsets = [2, 6], sizes = [1, 1], strides = [1, 1]} : vector<4x8xf32> to vector<1x1xf32>
      %get3A_413 = arith.constant 2 : index
      %get3A_414 = arith.constant 0 : index
      %get3A_415 = arith.constant 0 : index
      %get3A_416 = vector.load %arg4[%get3A_413, %get3A_414, %get3A_415] : memref<4x32x128xf32, #tpu.memory_space<vmem>>, vector<1x32x128xf32>
      %get3A_417 = vector.shape_cast %get3A_416 : vector<1x32x128xf32> to vector<32x128xf32>
      %mul3A_418 = vector.broadcast %slice3A_412 : vector<1x1xf32> to vector<32x128xf32>
      %mul3A_419 = arith.mulf %mul3A_418, %get3A_417 : vector<32x128xf32>
      %add3A_420 = arith.addf %add3A_411, %mul3A_419 : vector<32x128xf32>
      %slice3A_421 = vector.extract_strided_slice %add3A_75 {offsets = [3, 6], sizes = [1, 1], strides = [1, 1]} : vector<4x8xf32> to vector<1x1xf32>
      %get3A_422 = arith.constant 3 : index
      %get3A_423 = arith.constant 0 : index
      %get3A_424 = arith.constant 0 : index
      %get3A_425 = vector.load %arg4[%get3A_422, %get3A_423, %get3A_424] : memref<4x32x128xf32, #tpu.memory_space<vmem>>, vector<1x32x128xf32>
      %get3A_426 = vector.shape_cast %get3A_425 : vector<1x32x128xf32> to vector<32x128xf32>
      %mul3A_427 = vector.broadcast %slice3A_421 : vector<1x1xf32> to vector<32x128xf32>
      %mul3A_428 = arith.mulf %mul3A_427, %get3A_426 : vector<32x128xf32>
      %add3A_429 = arith.addf %add3A_420, %mul3A_428 : vector<32x128xf32>
      %get3A_430 = arith.constant 6 : index
      %get3A_431 = arith.constant 0 : index
      %get3A_432 = arith.constant 0 : index
      %get3A_433 = vector.load %arg2[%get3A_430, %get3A_431, %get3A_432] : memref<8x768x32xf32, #tpu.memory_space<vmem>>, vector<1x768x32xf32>
      %get3A_434 = vector.shape_cast %get3A_433 : vector<1x768x32xf32> to vector<768x32xf32>
      %dot_general3A_435 = arith.constant dense<0.000000e+00> : vector<768x128xf32>
      %dot_general3A_436 = tpu.matmul %get3A_434, %add3A_429, %dot_general3A_435 {dimension_numbers = #tpu.dot_dimension_numbers<[1], [0], [0], [1], [0, 0, 1, 1], [], []>, transpose_lhs_hint = false} : vector<768x32xf32>, vector<32x128xf32>, vector<768x128xf32> -> vector<768x128xf32>
      %add3A_437 = arith.addf %add3A_385, %dot_general3A_436 : vector<768x128xf32>
      %get3A_438 = arith.constant 6 : index
      %get3A_439 = arith.constant 0 : index
      %get3A_440 = vector.load %arg3[%get3A_438, %get3A_439] : memref<8x32xf32, #tpu.memory_space<vmem>>, vector<1x32xf32>
      %dot_general3A_441 = arith.constant dense<0.000000e+00> : vector<1x128xf32>
      %dot_general3A_442 = tpu.matmul %get3A_440, %add3A_429, %dot_general3A_441 {dimension_numbers = #tpu.dot_dimension_numbers<[1], [0], [0], [1], [0, 0, 1, 1], [], []>, transpose_lhs_hint = false} : vector<1x32xf32>, vector<32x128xf32>, vector<1x128xf32> -> vector<1x128xf32>
      %add3A_443 = arith.addf %add3A_391, %dot_general3A_442 : vector<1x128xf32>
      %broadcast_in_dim3A_444 = arith.constant 0.000000e+00 : f32
      %broadcast_in_dim3A_445 = vector.broadcast %broadcast_in_dim3A_444 : f32 to vector<32x128xf32>
      %slice3A_446 = vector.extract_strided_slice %add3A_75 {offsets = [0, 7], sizes = [1, 1], strides = [1, 1]} : vector<4x8xf32> to vector<1x1xf32>
      %get3A_447 = arith.constant 0 : index
      %get3A_448 = arith.constant 0 : index
      %get3A_449 = arith.constant 0 : index
      %get3A_450 = vector.load %arg4[%get3A_447, %get3A_448, %get3A_449] : memref<4x32x128xf32, #tpu.memory_space<vmem>>, vector<1x32x128xf32>
      %get3A_451 = vector.shape_cast %get3A_450 : vector<1x32x128xf32> to vector<32x128xf32>
      %mul3A_452 = vector.broadcast %slice3A_446 : vector<1x1xf32> to vector<32x128xf32>
      %mul3A_453 = arith.mulf %mul3A_452, %get3A_451 : vector<32x128xf32>
      %add3A_454 = arith.addf %broadcast_in_dim3A_445, %mul3A_453 : vector<32x128xf32>
      %slice3A_455 = vector.extract_strided_slice %add3A_75 {offsets = [1, 7], sizes = [1, 1], strides = [1, 1]} : vector<4x8xf32> to vector<1x1xf32>
      %get3A_456 = arith.constant 1 : index
      %get3A_457 = arith.constant 0 : index
      %get3A_458 = arith.constant 0 : index
      %get3A_459 = vector.load %arg4[%get3A_456, %get3A_457, %get3A_458] : memref<4x32x128xf32, #tpu.memory_space<vmem>>, vector<1x32x128xf32>
      %get3A_460 = vector.shape_cast %get3A_459 : vector<1x32x128xf32> to vector<32x128xf32>
      %mul3A_461 = vector.broadcast %slice3A_455 : vector<1x1xf32> to vector<32x128xf32>
      %mul3A_462 = arith.mulf %mul3A_461, %get3A_460 : vector<32x128xf32>
      %add3A_463 = arith.addf %add3A_454, %mul3A_462 : vector<32x128xf32>
      %slice3A_464 = vector.extract_strided_slice %add3A_75 {offsets = [2, 7], sizes = [1, 1], strides = [1, 1]} : vector<4x8xf32> to vector<1x1xf32>
      %get3A_465 = arith.constant 2 : index
      %get3A_466 = arith.constant 0 : index
      %get3A_467 = arith.constant 0 : index
      %get3A_468 = vector.load %arg4[%get3A_465, %get3A_466, %get3A_467] : memref<4x32x128xf32, #tpu.memory_space<vmem>>, vector<1x32x128xf32>
      %get3A_469 = vector.shape_cast %get3A_468 : vector<1x32x128xf32> to vector<32x128xf32>
      %mul3A_470 = vector.broadcast %slice3A_464 : vector<1x1xf32> to vector<32x128xf32>
      %mul3A_471 = arith.mulf %mul3A_470, %get3A_469 : vector<32x128xf32>
      %add3A_472 = arith.addf %add3A_463, %mul3A_471 : vector<32x128xf32>
      %slice3A_473 = vector.extract_strided_slice %add3A_75 {offsets = [3, 7], sizes = [1, 1], strides = [1, 1]} : vector<4x8xf32> to vector<1x1xf32>
      %get3A_474 = arith.constant 3 : index
      %get3A_475 = arith.constant 0 : index
      %get3A_476 = arith.constant 0 : index
      %get3A_477 = vector.load %arg4[%get3A_474, %get3A_475, %get3A_476] : memref<4x32x128xf32, #tpu.memory_space<vmem>>, vector<1x32x128xf32>
      %get3A_478 = vector.shape_cast %get3A_477 : vector<1x32x128xf32> to vector<32x128xf32>
      %mul3A_479 = vector.broadcast %slice3A_473 : vector<1x1xf32> to vector<32x128xf32>
      %mul3A_480 = arith.mulf %mul3A_479, %get3A_478 : vector<32x128xf32>
      %add3A_481 = arith.addf %add3A_472, %mul3A_480 : vector<32x128xf32>
      %get3A_482 = arith.constant 7 : index
      %get3A_483 = arith.constant 0 : index
      %get3A_484 = arith.constant 0 : index
      %get3A_485 = vector.load %arg2[%get3A_482, %get3A_483, %get3A_484] : memref<8x768x32xf32, #tpu.memory_space<vmem>>, vector<1x768x32xf32>
      %get3A_486 = vector.shape_cast %get3A_485 : vector<1x768x32xf32> to vector<768x32xf32>
      %dot_general3A_487 = arith.constant dense<0.000000e+00> : vector<768x128xf32>
      %dot_general3A_488 = tpu.matmul %get3A_486, %add3A_481, %dot_general3A_487 {dimension_numbers = #tpu.dot_dimension_numbers<[1], [0], [0], [1], [0, 0, 1, 1], [], []>, transpose_lhs_hint = false} : vector<768x32xf32>, vector<32x128xf32>, vector<768x128xf32> -> vector<768x128xf32>
      %add3A_489 = arith.addf %add3A_437, %dot_general3A_488 : vector<768x128xf32>
      %get3A_490 = arith.constant 7 : index
      %get3A_491 = arith.constant 0 : index
      %get3A_492 = vector.load %arg3[%get3A_490, %get3A_491] : memref<8x32xf32, #tpu.memory_space<vmem>>, vector<1x32xf32>
      %dot_general3A_493 = arith.constant dense<0.000000e+00> : vector<1x128xf32>
      %dot_general3A_494 = tpu.matmul %get3A_492, %add3A_481, %dot_general3A_493 {dimension_numbers = #tpu.dot_dimension_numbers<[1], [0], [0], [1], [0, 0, 1, 1], [], []>, transpose_lhs_hint = false} : vector<1x32xf32>, vector<32x128xf32>, vector<1x128xf32> -> vector<1x128xf32>
      %add3A_495 = arith.addf %add3A_443, %dot_general3A_494 : vector<1x128xf32>
      %swap3A_496 = arith.constant 0 : index
      %swap3A_497 = arith.constant 0 : index
      %swap3A_498 = vector.load %arg10[%swap3A_496, %swap3A_497] : memref<768x128xf32, #tpu.memory_space<vmem>>, vector<768x128xf32>
      tpu.vector_store %arg10[%swap3A_496, %swap3A_497], %add3A_489 {strides = array<i32>} : memref<768x128xf32, #tpu.memory_space<vmem>>, vector<768x128xf32>,
      %swap3A_499 = arith.constant 0 : index
      %swap3A_500 = arith.constant 0 : index
      %swap3A_501 = vector.load %arg11[%swap3A_499, %swap3A_500] : memref<1x128xf32, #tpu.memory_space<vmem>>, vector<1x128xf32>
      tpu.vector_store %arg11[%swap3A_499, %swap3A_500], %add3A_495 {strides = array<i32>} : memref<1x128xf32, #tpu.memory_space<vmem>>, vector<1x128xf32>,
    } else {
    }
    %get3A = arith.constant 0 : index
    %get3A_2 = arith.constant 0 : index
    %get3A_3 = vector.load %arg8[%get3A, %get3A_2] : memref<4096x768xf32, #tpu.memory_space<vmem>>, vector<4096x768xf32>
    %get3A_4 = arith.constant 0 : index
    %get3A_5 = arith.constant 0 : index
    %get3A_6 = vector.load %arg10[%get3A_4, %get3A_5] : memref<768x128xf32, #tpu.memory_space<vmem>>, vector<768x128xf32>
    %dot_general3A = arith.constant dense<0.000000e+00> : vector<4096x128xf32>
    %dot_general3A_7 = tpu.matmul %get3A_3, %get3A_6, %dot_general3A {dimension_numbers = #tpu.dot_dimension_numbers<[1], [0], [0], [1], [0, 0, 1, 1], [], []>, transpose_lhs_hint = false} : vector<4096x768xf32>, vector<768x128xf32>, vector<4096x128xf32> -> vector<4096x128xf32>
    %get3A_8 = arith.constant 0 : index
    %get3A_9 = arith.constant 0 : index
    %get3A_10 = vector.load %arg11[%get3A_8, %get3A_9] : memref<1x128xf32, #tpu.memory_space<vmem>>, vector<1x128xf32>
    %add3A = vector.broadcast %get3A_10 : vector<1x128xf32> to vector<4096x128xf32>
    %add3A_11 = arith.addf %dot_general3A_7, %add3A : vector<4096x128xf32>
    %max3A = arith.constant 0.000000e+00 : f32
    %max3A_12 = vector.broadcast %max3A : f32 to vector<4096x128xf32>
    %max3A_13 = arith.maximumf %add3A_11, %max3A_12 : vector<4096x128xf32>
    %abs3A = math.absf %add3A_11 : vector<4096x128xf32>
    %neg3A = arith.constant 0.000000e+00 : f32
    %neg3A_14 = vector.broadcast %neg3A : f32 to vector<4096x128xf32>
    %neg3A_15 = arith.subf %neg3A_14, %abs3A : vector<4096x128xf32>
    %exp3A = math.exp %neg3A_15 : vector<4096x128xf32>
    %log1p3A = math.log1p %exp3A : vector<4096x128xf32>
    %add3A_16 = arith.addf %max3A_13, %log1p3A : vector<4096x128xf32>
    %get3A_17 = arith.constant 0 : index
    %get3A_18 = arith.constant 0 : index
    %get3A_19 = vector.load %arg6[%get3A_17, %get3A_18] : memref<1x128xf32, #tpu.memory_space<vmem>>, vector<1x128xf32>
    %dot_general3A_20 = arith.constant dense<0.000000e+00> : vector<1x4096xf32>
    %dot_general3A_21 = tpu.matmul %get3A_19, %add3A_16, %dot_general3A_20 {dimension_numbers = #tpu.dot_dimension_numbers<[1], [1], [0], [0], [0, 0, 1, 0], [], []>, transpose_lhs_hint = false} : vector<1x128xf32>, vector<4096x128xf32>, vector<1x4096xf32> -> vector<1x4096xf32>
    %get3A_22 = arith.constant 0 : index
    %get3A_23 = arith.constant 0 : index
    %get3A_24 = vector.load %arg7[%get3A_22, %get3A_23] : memref<1x1xf32, #tpu.memory_space<vmem>>, vector<1x1xf32>
    %add3A_25 = vector.broadcast %get3A_24 : vector<1x1xf32> to vector<1x4096xf32>
    %add3A_26 = arith.addf %dot_general3A_21, %add3A_25 : vector<1x4096xf32>
    %swap3A = arith.constant 0 : index
    %swap3A_27 = arith.constant 0 : index
    %swap3A_28 = arith.constant 0 : index
    %swap3A_29 = vector.load %arg9[%swap3A, %swap3A_27, %swap3A_28] : memref<1x1x4096xf32, #tpu.memory_space<vmem>>, vector<1x1x4096xf32>
    %swap3A_30 = vector.shape_cast %swap3A_29 : vector<1x1x4096xf32> to vector<1x4096xf32>
    %swap3A_31 = vector.shape_cast %add3A_26 : vector<1x4096xf32> to vector<1x1x4096xf32>
    tpu.vector_store %arg9[%swap3A, %swap3A_27, %swap3A_28], %swap3A_31 {strides = array<i32>} : memref<1x1x4096xf32, #tpu.memory_space<vmem>>, vector<1x1x4096xf32>,
    return
  }
  func.func @transform_0(%arg0: i32) -> (i32, i32) {
    %c0_i32 = arith.constant 0 : i32
    %c0_i32_0 = arith.constant 0 : i32
    %c0_i32_1 = arith.constant 0 : i32
    return %c0_i32, %c0_i32_0 : i32, i32
  }
  func.func @transform_1(%arg0: i32) -> (i32, i32, i32) {
    %c0_i32 = arith.constant 0 : i32
    %c0_i32_0 = arith.constant 0 : i32
    %c0_i32_1 = arith.constant 0 : i32
    %c0_i32_2 = arith.constant 0 : i32
    return %c0_i32, %c0_i32_0, %c0_i32_1 : i32, i32, i32
  }
  func.func @transform_2(%arg0: i32) -> (i32, i32) {
    %c0_i32 = arith.constant 0 : i32
    %c0_i32_0 = arith.constant 0 : i32
    %c0_i32_1 = arith.constant 0 : i32
    return %c0_i32, %c0_i32_0 : i32, i32
  }
  func.func @transform_3(%arg0: i32) -> (i32, i32, i32) {
    %c0_i32 = arith.constant 0 : i32
    %c0_i32_0 = arith.constant 0 : i32
    %c0_i32_1 = arith.constant 0 : i32
    %c0_i32_2 = arith.constant 0 : i32
    return %c0_i32, %c0_i32_0, %c0_i32_1 : i32, i32, i32
  }
  func.func @transform_4(%arg0: i32) -> (i32, i32) {
    %c0_i32 = arith.constant 0 : i32
    %c0_i32_0 = arith.constant 0 : i32
    %c0_i32_1 = arith.constant 0 : i32
    return %c0_i32, %c0_i32_0 : i32, i32
  }
  func.func @transform_5(%arg0: i32) -> (i32, i32) {
    %c0_i32 = arith.constant 0 : i32
    %c0_i32_0 = arith.constant 0 : i32
    %c0_i32_1 = arith.constant 0 : i32
    return %c0_i32, %c0_i32_0 : i32, i32
  }
  func.func @transform_6(%arg0: i32) -> (i32, i32) {
    %c0_i32 = arith.constant 0 : i32
    %c0_i32_0 = arith.constant 0 : i32
    %c0_i32_1 = arith.constant 0 : i32
    return %c0_i32, %c0_i32_0 : i32, i32
  }
  func.func @transform_7(%arg0: i32) -> (i32, i32) {
    %c0_i32 = arith.constant 0 : i32
    %c0_i32_0 = arith.constant 0 : i32
    return %arg0, %c0_i32 : i32, i32
  }
  func.func @transform_8(%arg0: i32) -> (i32, i32, i32) {
    %c0_i32 = arith.constant 0 : i32
    %c0_i32_0 = arith.constant 0 : i32
    %c0_i32_1 = arith.constant 0 : i32
    return %arg0, %c0_i32, %c0_i32_0 : i32, i32, i32
  }
}

</mosaic_0001>

<sc_bundles>
// kernel: _run.4.cloned.1.call-start
scs
__scs_entry_jumppad:
0x0: {  	(pc) =	sbr.rel $0x88, $3  }
0x1: {  	(tag) =	ssettag $0x0;
	lr =	simm.s32 $0x1  }
0x2: {  	[smem:$0x3F98] =	sst lr;
	_ =	strace $0xD0000000  }
0x3: {  	_ = 	snop  }
0x4: {  	_ = 	snop  }
0x5: {  	_ = 	snop  }
0x6: {  	_ = 	snop  }
0x7: {  	_ = 	snop  }
__scs_overlays_trampoline_lowered:
0x8: {  	[smem:$0x3FA7] =	sst s0  }
0x9: {  	[smem:$0x3FA8] =	sst s1  }
0xa: {  	[smem:$0x3FA9] =	sst s2  }
0xb: {  	[smem:$0x3FAA] =	sst s3  }
0xc: {  	[smem:$0x3FAB] =	sst s4  }
0xd: {  	[smem:$0x3FAC] =	sst s5  }
0xe: {  	[smem:$0x3FAD] =	sst s6  }
0xf: {  	[smem:$0x3FAE] =	sst s7  }
0x10: {  	[smem:$0x3FAF] =	sst s8  }
0x11: {  	[smem:$0x3FB0] =	sst s9;
	s0 =	simm.s32 @!p0 $0x0  }
0x12: {  	s1 =	sld [smem:$0x3F96];
	s0 =	simm.s32 @p0 $0x1  }
0x13: {  	[smem:$0x3FB1] =	sst s0;
	s0 =	simm.s32 @!p1 $0x0  }
0x14: {  	s2 =	sld [smem:$0x3F95];
	s0 =	simm.s32 @p1 $0x1  }
0x15: {  	[smem:$0x3FB2] =	sst s0;
	s0 =	simm.s32 @!p2 $0x0  }
0x16: {  	s3 =	sld [smem:$0x3FDB];
	s0 =	simm.s32 @p2 $0x1  }
0x17: {  	s4 =	simm.s32 $0x1BF5;
	[smem:$0x3FB4] =	sst s0  }
0x18: {  	s0 =	sld [smem:$0x3F97];
	_ =	swait.ge [sflag:s4], $0x0  }
0x19: {  	s7 =	sld [smem:$0x3F98]  }
0x1a: {  	s8 =	sadd.s32 $0xFFFFE003, lr  }
0x1b: {  	s9 =	sadd.s32 $0xFFFFFEF7, lr;
	s5 =	simm.s32 $0xFFFFFFFF;
	p2 =	slt.u32 s8, $0xFFFFF086  }
0x1c: {  	p1 =	slt.u32 s9, $0xF7A;
	s5 =	simm.s32 @!p2 $0x0  }
0x1d: {  	s5 =	simm.s32 @p1 $0x1;
	p0 =	seq.s32 s7, s2  }
0x1e: {  	s7 =	smul.u32 @!p0 $0xF7A, s2;
	p2 =	seq.s32 @!p0 s5, $0x0  }
0x1f: {  	s9 =	smul.u32 $0xF7A, s1;
	s8 =	simm.s32 @!p0 $0x1BF5;
	p2 =	por !p2, p0  }
0x20: {  	[sflag:s8] =	ssyncset.s32 @!p0 $0xFFFFF086;
	s6 =	sadd.s32 @!p0 s3, s7;
	s7 =	simm.s32 @!p0 $0x108  }
0x21: {  	s3 =	sadd.s32 s3, s9;
	s6 =	sadd.s32 @!p0 $0x88, s6;
	s7 =	simm.s32 @p2 $0x1082  }
0x22: {  	[simem:s7], [sflag:s8] =	dma.local @!p0 [hbm:s6], $0xF7A  }
0x23: {  	s9 =	sor.u32 $0xD0000000, s2;
	s6 =	simm.s32 $0x108;
	_ =	swait.ge @!p0 [sflag:s8], $0x0  }
0x24: {  	s3 =	sadd.s32 $0x88, s3;
	s6 =	simm.s32 @!p1 $0x1082;
	[sflag:s4] =	ssyncset.s32 $0xFFFFF086  }
0x25: {  	[simem:s6], [sflag:s4] =	dma.local [hbm:s3], $0xF7A  }
0x26: {  	[smem:$0x3F98] =	sst s1;
	(tag) =	ssettag s2;
	_ =	strace s9  }
0x27: {  	s1 =	sld [smem:$0x3FA8]  }
0x28: {  	s2 =	sld [smem:$0x3FA9]  }
0x29: {  	s4 =	sld [smem:$0x3FAB]  }
0x2a: {  	p0 =	seq.s32 s5, $0x0;
	s5 =	sld [smem:$0x3FAC]  }
0x2b: {  	s6 =	sld [smem:$0x3FAD]  }
0x2c: {  	s7 =	sld [smem:$0x3FAE]  }
0x2d: {  	s3 =	simm.s32 $0x108;
	s8 =	sld [smem:$0x3FAF]  }
0x2e: {  	s3 =	simm.s32 @!p0 $0x1082;
	s9 =	sld [smem:$0x3FB0]  }
0x2f: {  	lr =	sadd.s32 s0, s3;
	s0 =	sld [smem:$0x3FA7]  }
0x30: {  	s3 =	sld [smem:$0x3FAA]  }
0x31: {  	[smem:$0x3FB3] =	sst s10  }
0x32: {  	s10 =	sld [smem:$0x3FB1];
	_ =	sdelay $0x3  }
0x33: {  	p0 =	seq.s32 s10, $0x1;
	s10 =	sld [smem:$0x3FB3];
	_ =	sdelay $0x3  }
0x34: {  	[smem:$0x3FB3] =	sst s10  }
0x35: {  	s10 =	sld [smem:$0x3FB2];
	_ =	sdelay $0x3  }
0x36: {  	p1 =	seq.s32 s10, $0x1;
	s10 =	sld [smem:$0x3FB3];
	_ =	sdelay $0x3  }
0x37: {  	[smem:$0x3FB3] =	sst s10  }
0x38: {  	s10 =	sld [smem:$0x3FB4]  }
0x39: {  	_ = 	snop;
	(pc) =	sbr.ind lr, $3  }
0x3a: {  	_ = 	snop  }
0x3b: {  	_ = 	snop  }
0x3c: {  	p2 =	seq.s32 s10, $0x1;
	s10 =	sld [smem:$0x3FB3]  }
0x3d: {  	_ =	shalt  }
0x3e: {  	_ =	shalt  }
0x3f: {  	_ =	shalt  }
0x40: {  	_ =	shalt  }
0x41: {  	_ =	shalt  }
0x42: {  	_ =	shalt  }
0x43: {  	_ =	shalt  }
0x44: {  	_ =	shalt  }
0x45: {  	_ =	shalt  }
0x46: {  	_ =	shalt  }
0x47: {  	_ =	shalt  }
0x48: {  	_ =	shalt  }
0x49: {  	_ =	shalt  }
0x4a: {  	_ =	shalt  }
0x4b: {  	_ =	shalt  }
0x4c: {  	_ =	shalt  }
0x4d: {  	_ =	shalt  }
0x4e: {  	_ =	shalt  }
0x4f: {  	_ =	shalt  }
0x50: {  	_ =	shalt  }
0x51: {  	_ =	shalt  }
0x52: {  	_ =	shalt  }
0x53: {  	_ =	shalt  }
0x54: {  	_ =	shalt  }
0x55: {  	_ =	shalt  }
0x56: {  	_ =	shalt  }
0x57: {  	_ =	shalt  }
0x58: {  	_ =	shalt  }
0x59: {  	_ =	shalt  }
0x5a: {  	_ =	shalt  }
0x5b: {  	_ =	shalt  }
0x5c: {  	_ =	shalt  }
0x5d: {  	_ =	shalt  }
0x5e: {  	_ =	shalt  }
0x5f: {  	_ =	shalt  }
0x60: {  	_ =	shalt  }
0x61: {  	_ =	shalt  }
0x62: {  	_ =	shalt  }
0x63: {  	_ =	shalt  }
0x64: {  	_ =	shalt  }
0x65: {  	_ =	shalt  }
0x66: {  	_ =	shalt  }
0x67: {  	_ =	shalt  }
0x68: {  	_ =	shalt  }
0x69: {  	_ =	shalt  }
0x6a: {  	_ =	shalt  }
0x6b: {  	_ =	shalt  }
0x6c: {  	_ =	shalt  }
0x6d: {  	_ =	shalt  }
0x6e: {  	_ =	shalt  }
0x6f: {  	_ =	shalt  }
0x70: {  	_ =	shalt  }
0x71: {  	_ =	shalt  }
0x72: {  	_ =	shalt  }
0x73: {  	_ =	shalt  }
0x74: {  	_ =	shalt  }
0x75: {  	_ =	shalt  }
0x76: {  	_ =	shalt  }
0x77: {  	_ =	shalt  }
0x78: {  	_ =	shalt  }
0x79: {  	_ =	shalt  }
0x7a: {  	_ =	shalt  }
0x7b: {  	_ =	shalt  }
0x7c: {  	_ =	shalt  }
0x7d: {  	_ =	shalt  }
0x7e: {  	_ =	shalt  }
0x7f: {  	_ =	shalt  }
0x80: {  	_ =	shalt  }
0x81: {  	_ =	shalt  }
0x82: {  	_ =	shalt  }
0x83: {  	_ =	shalt  }
0x84: {  	_ =	shalt  }
0x85: {  	_ =	shalt  }
0x86: {  	_ =	shalt  }
0x87: {  	_ =	shalt  }
.Lfunc_end0:
.L_simem_size_0:
called_computation_lowered:
.L_overlay_start_0:
0x88: {  	s2 =	sld [smem:$0x3FD9]  }
0x89: {  	s3 =	sld [smem:$0x3FFE];
	_ =	sdelay $0x1  }
0x8a: {  	s1 =	srdreg.scid  }
0x8b: {  	s0 =	sand.u32 $0x1, s1  }
0x8c: {  	s15 =	sshll.u32 s0, $0xA;
	s2 =	sadd.s32 s3, s2  }
0x8d: {  	s2 =	sadd.s32 s2, s15  }
0x8e: {  	[smem:$0x3FBF] =	sst s2  }
0x8f: {  	_ = 	snop  }
0x90: {  	s2 =	sld [smem:$0x3FD0];
	_ =	sdelay $0x2  }
0x91: {  	s4 =	simm.s32 $0xA;
	s5 =	simm.s32 $0x10;
	s16 =	sld [smem:$0x3FC7]  }
0x92: {  	[smem:s5], [sflag:s4] =	dma.local [hbm:s2], $0x1  }
0x93: {  	_ =	swait.eq [sflag:s4], $0x1  }
0x94: {  	[sflag:s4] =	ssyncset.done $0x0  }
0x95: {  	[sflag:s4] =	ssyncadd.s32 $0xFFFFFFFF  }
0x96: {  	s17 =	sld [smem:$0x11];
	(tm) =	ssettm $0x1  }
0x97: {  	s18 =	sld [smem:$0x3FFB];
	_ =	sdelay $0x3  }
0x98: {  	_ =	strace s18  }
0x99: {  	s4 =	sld [smem:$0x3FFC];
	_ =	sdelay $0x3  }
0x9a: {  	_ =	strace s4  }
0x9b: {  	s4 =	sld [smem:$0x3FFD];
	_ =	sdelay $0x3  }
0x9c: {  	_ =	strace s4  }
0x9d: {  	_ =	strace $0x8FFFFFFF  }
0x9e: {  	s19 =	sld [smem:$0x3FDB];
	_ =	sdelay $0x1  }
0x9f: {  	s20 =	simm.s32 $_scs_section_size  }
0xa0: {  	s6 =	simm.s32 $_size__tile_overlayer_lowered;
	s7 =	simm.s32 $_tile_overlayer_lowered  }
0xa1: {  	s23 =	simm.s32 $0x1BFF;
	s22 =	sshll.u32 s7, $0x1;
	s4 =	sadd.s32 s20, s19  }
0xa2: {  	s8 =	simm.s32 $0x0;
	s21 =	sshll.u32 s6, $0x1;
	s6 =	sadd.s32 s22, s4  }
0xa3: {  	[timem:s8], [sflag:s23] =	dma.local [hbm:s6], s21  }
0xa4: {  	_ =	swait.ge [sflag:s23], s21  }
0xa5: {  	s5 =	ssub.s32 $0x0, s21;
	[sflag:s23] =	ssyncset.done $0x0  }
0xa6: {  	[sflag:s23] =	ssyncadd.s32 s5;
	_ =	sdelay $0x1  }
0xa7: {  	s24 =	simm.s32 $0x1B8B  }
0xa8: {  	_ =	swait.ge [sflag:s24], $0x1  }
0xa9: {  	[sflag:s24] =	ssyncset.done $0x0  }
0xaa: {  	s25 =	simm.s32 $0x1B8E;
	[sflag:s24] =	ssyncadd.s32 $0xFFFFFFFF  }
0xab: {  	s26 =	simm.s32 $execute0_lowered;
	[smem:$0x3FD2] =	sst s25  }
0xac: {  	s5 =	sshll.u32 s26, $0x1;
	_ =	strace $0x80000046;
	[dreg:$0x1] =	wrdreg $0xFFFFFFFF  }
0xad: {  	s28 =	simm.s32 $_size_execute0_lowered;
	s4 =	sadd.s32 s4, s5;
	[dreg:$0x0] =	wrdreg $0x0  }
0xae: {  	s5 =	sshll.u32 s28, $0x1;
	[dreg:$0x2] =	wrdreg s4  }
0xaf: {  	[dreg:$0x3] =	wrdreg s5  }
0xb0: {  	[dreg:$0x4] =	wrdreg $0xC0  }
0xb1: {  	_ =	task [dreg:s8], $0x5FFFF  }
0xb2: {  	[dreg:$0x1] =	wrdreg $0xFFFFFFFF  }
0xb3: {  	[dreg:$0x0] =	wrdreg $0x60  }
0xb4: {  	[dreg:$0x2] =	wrdreg s16  }
0xb5: {  	[dreg:$0x3] =	wrdreg s17  }
0xb6: {  	[dreg:$0x4] =	wrdreg $0x9  }
0xb7: {  	_ =	task.clear_ibuf [dreg:s8], $0x5FFFF;
	_ =	strace $0x90000046  }
0xb8: {  	s29 =	simm.s32 $0x9;
	_ =	strace $0x80000048  }
0xb9: {  	_ =	swait.ge [sflag:s29], $0x1  }
0xba: {  	[sflag:s29] =	ssyncadd.s32 $0xFFFFFFFF  }
0xbb: {  	_ =	strace $0x90000048  }
0xbc: {  	_ =	sfence  }
0xbd: {  	s30 =	sld [smem:$0x0];
	_ =	sdelay $0x2  }
0xbe: {  	s31 =	sshll.u32 s1, $0xD;
	s1 =	sshrl.u32 s1, $0x2  }
0xbf: {  	s3 =	sand.u32 $0x4000, s31;
	s1 =	sadd.s32 s1, s30  }
0xc0: {  	s0 =	sor.u32 s3, s0;
	s1 =	sshll.u32 s1, $0x11  }
0xc1: {  	s0 =	sor.u32 s1, s0  }
0xc2: {  	s0 =	sadd.s32 $0x8F2B, s0  }
0xc3: {  	[sflag:s0] =	ssyncadd.remote.s32 $0x1  }
0xc4: {  	_ =	sfence.sel $0xFFFF  }
0xc5: {  	[dreg:$0x0] =	wrdreg $0xFFFFFFFF;
	(pc) =	sbr.abs _section_cstart, $3  }
0xc6: {  	[dreg:$0x1] =	wrdreg $0xFFFFFFFF  }
0xc7: {  	_ =	task.clear_ibuf [dreg:s8], $0x2FFFF;
	_ =	strace $0x9FFFFFFF  }
0xc8: {  	(tm) =	ssettm $0x7FFFFFFF  }
0xc9: {  	_ =	shalt  }
tec
execute0_lowered:
.L_overlay_start_1:
0x0: {  	(tag) =	ssettag $0x1  }
0x1: {  	s0 =	srdreg.scid  }
0x2: {  	s4 =	sand.u32 $0x1, s0;
	s0 =	stileid.u32  }
0x3: {  	s5 =	sor.u32 s0, s4  }
0x4: {  	p0 =	sne.s32 s5, $0x0  }
.Ltmp0:
0x5: {  	_ = 	snop;
	(pc) =	sbr.rel @p0 .LBB2_3-.Ltmp0, $4  }
0x6: {  	_ = 	snop  }
0x7: {  	s2 =	rddreg [dreg:$0x0]  }
0x8: {  	s3 =	rddreg [dreg:$0x1]  }
0x9: {  	s1 =	rddreg [dreg:$0x2];
	_ =	strace $0x80000047  }
0xa: {  	v0 =	vimm.s32 $0xBA98FEDC;
	v1 =	vimm.s32 $0x32107654;
	v2 =	vimm.s32 $0xDCFE98BA  }
0xb: {  	v3 =	vimm.s32 $0x54761032;
	v4 =	vimm.s32 $0xEFCDAB89;
	v5 =	vimm.s32 $0x67452301  }
0xc: {  	v0 =	vunpack.c.l.s4.s8 v0;
	v1 =	vunpack.c.l.s4.s8 v1;
	v2 =	vunpack.c.l.s4.s8 v2  }
0xd: {  	v3 =	vunpack.c.l.s4.s8 v3;
	v4 =	vunpack.c.l.s4.s8 v4;
	v5 =	vunpack.c.l.s4.s8 v5  }
0xe: {  	v0 =	vunpack.c.0.s8.s32 v0;
	v1 =	vunpack.c.0.s8.s32 v1;
	v2 =	vunpack.c.0.s8.s32 v2  }
0xf: {  	v3 =	vunpack.c.0.s8.s32 v3;
	v4 =	vunpack.c.0.s8.s32 v4;
	v5 =	vunpack.c.0.s8.s32 v5  }
0x10: {  	v1 =	vcombine.low v1, v0  }
0x11: {  	s4 =	ssub.s32 $0x2, s4;
	s6 =	simm.s32 $0x1;
	v2 =	vcombine.low v3, v2;
	v3 =	vcombine.low v5, v4  }
0x12: {  	s7 =	simm.s32 $0x280;
	s8 =	simm.s32 $0x300;
	vm0 =	vmmov $0xff;
	s5 =	sshrl.u32 s4, $0x1;
	v0 =	vlaneseq.u32  }
0x13: {  	s9 =	simm.s32 $0x200;
	s4 =	ssub.s32 s4, s5;
	s5 =	simm.s32 $0x0;
	v1 =	vand.u32 $0xF, v1;
	v2 =	vand.u32 $0xF, v2;
	v3 =	vand.u32 $0xF, v3  }
.LBB2_2:
0x14: {  	[tilespmem:s5], [sflag:$0x1] =	stream.linear.gather [hbm4b:s2+s5], $0x200, $0x38;
	[tilespmem:$0x380] =	vst v63  }
0x15: {  	_ =	swait.ge [sflag:s6], $0x200  }
0x16: {  	[sflag:s6] =	ssyncset.done $0x0  }
0x17: {  	[sflag:s6] =	ssyncadd.s32 $0xFFFFFE00  }
0x18: {  	v4 =	vld [tilespmem:$0x0];
	_ =	sdelay $0x3  }
0x19: {  	[tilespmem:$0x300] =	vst v0  }
0x1a: {  	[tilespmem:$0x280] =	vst v4  }
0x1b: {  	v5 =	vld.idx.msk [tilespmem:v1+s7+$0x0], $0xffff  }
0x1c: {  	v6 =	vld.idx.msk [tilespmem:v1+s8+$0x0], $0xffff;
	_ =	sdelay $0x4  }
0x1d: {  	vm1 =	veq.f32 v5, v4;
	vm2 =	vlt.s32 v6, v0  }
0x1e: {  	vm3 =	vgt.f32 v5, v4;
	vm1 =	vmand vm1, vm2  }
0x1f: {  	vm1 =	vmor vm3, vm1  }
0x20: {  	v5 =	vsel vm1, v5, v4  }
0x21: {  	v7 =	vsel vm1, v6, v0;
	[tilespmem:$0x280] =	vst v5  }
0x22: {  	[tilespmem:$0x300] =	vst v7  }
0x23: {  	v32 =	vld.idx.msk [tilespmem:v2+s7+$0x0], $0xffff  }
0x24: {  	v8 =	vld.idx.msk [tilespmem:v2+s8+$0x0], $0xffff;
	_ =	sdelay $0x4  }
0x25: {  	vm1 =	veq.f32 v32, v5;
	vm2 =	vlt.s32 v8, v7  }
0x26: {  	vm3 =	vgt.f32 v32, v5;
	vm1 =	vmand vm1, vm2  }
0x27: {  	vm1 =	vmor vm3, vm1  }
0x28: {  	v6 =	vsel vm1, v32, v5  }
0x29: {  	v5 =	vsel vm1, v8, v7;
	[tilespmem:$0x280] =	vst v6  }
0x2a: {  	[tilespmem:$0x300] =	vst v5  }
0x2b: {  	v33 =	vld.idx.msk [tilespmem:v3+s7+$0x0], $0xffff  }
0x2c: {  	v34 =	vld.idx.msk [tilespmem:v3+s8+$0x0], $0xffff;
	_ =	sdelay $0x4  }
0x2d: {  	vm1 =	veq.f32 v33, v6;
	vm2 =	vlt.s32 v34, v5  }
0x2e: {  	vm3 =	vgt.f32 v33, v6;
	vm1 =	vmand vm1, vm2  }
0x2f: {  	vm3 =	vmor vm3, vm1  }
0x30: {  	v5 =	vsel vm3, v34, v5  }
0x31: {  	vm1 =	veq.s32 v5, v0  }
0x32: {  	[tilespmem:$0x300] =	vst v0;
	v4 =	vsel vm1, $0xFF800000, v4  }
0x33: {  	[tilespmem:$0x280] =	vst v4  }
0x34: {  	v5 =	vld.idx.msk [tilespmem:v1+s7+$0x0], $0xffff  }
0x35: {  	v35 =	vld.idx.msk [tilespmem:v1+s8+$0x0], $0xffff;
	_ =	sdelay $0x4  }
0x36: {  	vm2 =	veq.f32 v5, v4;
	vm4 =	vlt.s32 v35, v0  }
0x37: {  	vm5 =	vgt.f32 v5, v4;
	vm2 =	vmand vm4, vm2  }
0x38: {  	vm2 =	vmor vm5, vm2  }
0x39: {  	v4 =	vsel vm2, v5, v4  }
0x3a: {  	v5 =	vsel vm2, v35, v0;
	[tilespmem:$0x280] =	vst v4  }
0x3b: {  	[tilespmem:$0x300] =	vst v5  }
0x3c: {  	v36 =	vld.idx.msk [tilespmem:v2+s7+$0x0], $0xffff  }
0x3d: {  	v9 =	vld.idx.msk [tilespmem:v2+s8+$0x0], $0xffff;
	_ =	sdelay $0x4  }
0x3e: {  	vm2 =	veq.f32 v36, v4;
	vm15 =	vlt.s32 v9, v5  }
0x3f: {  	vm8 =	vgt.f32 v36, v4;
	vm2 =	vmand vm2, vm15  }
0x40: {  	v37 =	vld [tilespmem:$0x80];
	vm2 =	vmor vm8, vm2  }
0x41: {  	v11 =	vsel vm2, v36, v4  }
0x42: {  	v4 =	vsel vm2, v9, v5;
	[tilespmem:$0x280] =	vst v11  }
0x43: {  	[tilespmem:$0x300] =	vst v4  }
0x44: {  	v13 =	vld.idx.msk [tilespmem:v3+s7+$0x0], $0xffff  }
0x45: {  	v5 =	vld.idx.msk [tilespmem:v3+s8+$0x0], $0xffff;
	[tilespmem:$0x280] =	vst v37  }
0x46: {  	[tilespmem:$0x300] =	vst v0  }
0x47: {  	v38 =	vld.idx.msk [tilespmem:v1+s7+$0x0], $0xffff  }
0x48: {  	v10 =	vld.idx.msk [tilespmem:v1+s8+$0x0], $0xffff;
	_ =	sdelay $0x4  }
0x49: {  	vm2 =	veq.f32 v38, v37;
	vm9 =	vlt.s32 v10, v0  }
0x4a: {  	vm10 =	vgt.f32 v38, v37;
	vm2 =	vmand vm2, vm9  }
0x4b: {  	vm2 =	vmor vm10, vm2  }
0x4c: {  	v9 =	vsel vm2, v38, v37  }
0x4d: {  	v12 =	vsel vm2, v10, v0;
	[tilespmem:$0x280] =	vst v9  }
0x4e: {  	[tilespmem:$0x300] =	vst v12  }
0x4f: {  	v39 =	vld.idx.msk [tilespmem:v2+s7+$0x0], $0xffff  }
0x50: {  	v14 =	vld.idx.msk [tilespmem:v2+s8+$0x0], $0xffff;
	_ =	sdelay $0x4  }
0x51: {  	vm2 =	veq.f32 v39, v9;
	vm11 =	vlt.s32 v14, v12  }
0x52: {  	vm12 =	vgt.f32 v39, v9;
	vm2 =	vmand vm2, vm11  }
0x53: {  	vm2 =	vmor vm12, vm2  }
0x54: {  	v10 =	vsel vm2, v39, v9  }
0x55: {  	v40 =	vsel vm2, v14, v12;
	[tilespmem:$0x280] =	vst v10  }
0x56: {  	[tilespmem:$0x300] =	vst v40  }
0x57: {  	v41 =	vld.idx.msk [tilespmem:v3+s7+$0x0], $0xffff  }
0x58: {  	v42 =	vld.idx.msk [tilespmem:v3+s8+$0x0], $0xffff;
	_ =	sdelay $0x4  }
0x59: {  	vm2 =	veq.f32 v41, v10;
	vm13 =	vlt.s32 v42, v40  }
0x5a: {  	vm14 =	vgt.f32 v41, v10;
	vm2 =	vmand vm2, vm13  }
0x5b: {  	vm5 =	vmor vm14, vm2  }
0x5c: {  	v9 =	vsel vm5, v42, v40  }
0x5d: {  	vm2 =	veq.s32 v9, v0  }
0x5e: {  	[tilespmem:$0x300] =	vst v0;
	v8 =	vsel vm2, $0xFF800000, v37  }
0x5f: {  	[tilespmem:$0x280] =	vst v8  }
0x60: {  	v43 =	vld.idx.msk [tilespmem:v1+s7+$0x0], $0xffff  }
0x61: {  	v44 =	vld.idx.msk [tilespmem:v1+s8+$0x0], $0xffff;
	_ =	sdelay $0x4  }
0x62: {  	vm15 =	veq.f32 v43, v8;
	vm6 =	vlt.s32 v44, v0  }
0x63: {  	vm7 =	vgt.f32 v43, v8;
	vm4 =	vmand vm6, vm15  }
0x64: {  	vm4 =	vmor vm7, vm4  }
0x65: {  	v8 =	vsel vm4, v43, v8  }
0x66: {  	v45 =	vsel vm4, v44, v0;
	[tilespmem:$0x280] =	vst v8  }
0x67: {  	[tilespmem:$0x300] =	vst v45  }
0x68: {  	v46 =	vld.idx.msk [tilespmem:v2+s7+$0x0], $0xffff  }
0x69: {  	v15 =	vld.idx.msk [tilespmem:v2+s8+$0x0], $0xffff;
	_ =	sdelay $0x4  }
0x6a: {  	vm9 =	veq.f32 v46, v8;
	vm10 =	vlt.s32 v15, v45  }
0x6b: {  	vm11 =	vgt.f32 v46, v8;
	vm4 =	vmand vm9, vm10  }
0x6c: {  	v47 =	vld [tilespmem:$0x100];
	vm4 =	vmor vm11, vm4  }
0x6d: {  	v18 =	vsel vm4, v46, v8  }
0x6e: {  	v48 =	vsel vm4, v15, v45;
	[tilespmem:$0x280] =	vst v18  }
0x6f: {  	[tilespmem:$0x300] =	vst v48  }
0x70: {  	v19 =	vld.idx.msk [tilespmem:v3+s7+$0x0], $0xffff  }
0x71: {  	v49 =	vld.idx.msk [tilespmem:v3+s8+$0x0], $0xffff;
	[tilespmem:$0x280] =	vst v47  }
0x72: {  	[tilespmem:$0x300] =	vst v0  }
0x73: {  	v50 =	vld.idx.msk [tilespmem:v1+s7+$0x0], $0xffff  }
0x74: {  	v16 =	vld.idx.msk [tilespmem:v1+s8+$0x0], $0xffff;
	_ =	sdelay $0x4  }
0x75: {  	vm12 =	veq.f32 v50, v47;
	vm13 =	vlt.s32 v16, v0  }
0x76: {  	vm14 =	vgt.f32 v50, v47;
	vm4 =	vmand vm12, vm13  }
0x77: {  	vm4 =	vmor vm14, vm4  }
0x78: {  	v15 =	vsel vm4, v50, v47  }
0x79: {  	v17 =	vsel vm4, v16, v0;
	[tilespmem:$0x280] =	vst v15  }
0x7a: {  	[tilespmem:$0x300] =	vst v17  }
0x7b: {  	v51 =	vld.idx.msk [tilespmem:v2+s7+$0x0], $0xffff  }
0x7c: {  	v20 =	vld.idx.msk [tilespmem:v2+s8+$0x0], $0xffff;
	_ =	sdelay $0x4  }
0x7d: {  	vm15 =	veq.f32 v51, v15;
	vm9 =	vlt.s32 v20, v17  }
0x7e: {  	vm10 =	vgt.f32 v51, v15;
	vm4 =	vmand vm15, vm9  }
0x7f: {  	vm4 =	vmor vm10, vm4  }
0x80: {  	v16 =	vsel vm4, v51, v15  }
0x81: {  	v52 =	vsel vm4, v20, v17;
	[tilespmem:$0x280] =	vst v16  }
0x82: {  	[tilespmem:$0x300] =	vst v52  }
0x83: {  	v53 =	vld.idx.msk [tilespmem:v3+s7+$0x0], $0xffff  }
0x84: {  	v54 =	vld.idx.msk [tilespmem:v3+s8+$0x0], $0xffff;
	_ =	sdelay $0x4  }
0x85: {  	vm11 =	veq.f32 v53, v16;
	vm12 =	vlt.s32 v54, v52  }
0x86: {  	vm13 =	vgt.f32 v53, v16;
	vm4 =	vmand vm11, vm12  }
0x87: {  	vm6 =	vmor vm13, vm4  }
0x88: {  	v15 =	vsel vm6, v54, v52  }
0x89: {  	vm4 =	veq.s32 v15, v0  }
0x8a: {  	[tilespmem:$0x300] =	vst v0;
	v14 =	vsel vm4, $0xFF800000, v47  }
0x8b: {  	[tilespmem:$0x280] =	vst v14  }
0x8c: {  	v55 =	vld.idx.msk [tilespmem:v1+s7+$0x0], $0xffff  }
0x8d: {  	v56 =	vld.idx.msk [tilespmem:v1+s8+$0x0], $0xffff;
	_ =	sdelay $0x4  }
0x8e: {  	vm14 =	veq.f32 v55, v14;
	vm8 =	vlt.s32 v56, v0  }
0x8f: {  	vm9 =	vgt.f32 v55, v14;
	vm7 =	vmand vm8, vm14  }
0x90: {  	vm7 =	vmor vm9, vm7  }
0x91: {  	v14 =	vsel vm7, v55, v14  }
0x92: {  	v57 =	vsel vm7, v56, v0;
	[tilespmem:$0x280] =	vst v14  }
0x93: {  	[tilespmem:$0x300] =	vst v57  }
0x94: {  	v58 =	vld.idx.msk [tilespmem:v2+s7+$0x0], $0xffff  }
0x95: {  	v21 =	vld.idx.msk [tilespmem:v2+s8+$0x0], $0xffff;
	_ =	sdelay $0x4  }
0x96: {  	vm15 =	veq.f32 v58, v14;
	vm12 =	vlt.s32 v21, v57  }
0x97: {  	vm13 =	vgt.f32 v58, v14;
	vm7 =	vmand vm15, vm12  }
0x98: {  	v22 =	vld [tilespmem:$0x180];
	vm7 =	vmor vm13, vm7  }
0x99: {  	v20 =	vsel vm7, v58, v14  }
0x9a: {  	v59 =	vsel vm7, v21, v57;
	[tilespmem:$0x280] =	vst v20  }
0x9b: {  	[tilespmem:$0x300] =	vst v59  }
0x9c: {  	v60 =	vld.idx.msk [tilespmem:v3+s7+$0x0], $0xffff  }
0x9d: {  	v61 =	vld.idx.msk [tilespmem:v3+s8+$0x0], $0xffff;
	[tilespmem:$0x280] =	vst v22  }
0x9e: {  	[tilespmem:$0x300] =	vst v0  }
0x9f: {  	v23 =	vld.idx.msk [tilespmem:v1+s7+$0x0], $0xffff  }
0xa0: {  	v24 =	vld.idx.msk [tilespmem:v1+s8+$0x0], $0xffff;
	_ =	sdelay $0x4  }
0xa1: {  	vm14 =	veq.f32 v23, v22;
	vm15 =	vlt.s32 v24, v0  }
0xa2: {  	vm12 =	vgt.f32 v23, v22;
	vm7 =	vmand vm14, vm15  }
0xa3: {  	vm7 =	vmor vm12, vm7  }
0xa4: {  	v23 =	vsel vm7, v23, v22  }
0xa5: {  	v24 =	vsel vm7, v24, v0;
	[tilespmem:$0x280] =	vst v23  }
0xa6: {  	[tilespmem:$0x300] =	vst v24  }
0xa7: {  	v25 =	vld.idx.msk [tilespmem:v2+s7+$0x0], $0xffff  }
0xa8: {  	v26 =	vld.idx.msk [tilespmem:v2+s8+$0x0], $0xffff;
	_ =	sdelay $0x4  }
0xa9: {  	vm13 =	veq.f32 v25, v23;
	vm14 =	vlt.s32 v26, v24  }
0xaa: {  	vm15 =	vgt.f32 v25, v23;
	vm7 =	vmand vm13, vm14  }
0xab: {  	vm7 =	vmor vm15, vm7  }
0xac: {  	v23 =	vsel vm7, v25, v23  }
0xad: {  	v24 =	vsel vm7, v26, v24;
	[tilespmem:$0x280] =	vst v23  }
0xae: {  	[tilespmem:$0x300] =	vst v24  }
0xaf: {  	vm12 =	veq.f32 v13, v11;
	vm13 =	vlt.s32 v5, v4;
	v62 =	vld.idx.msk [tilespmem:v3+s7+$0x0], $0xffff  }
0xb0: {  	vm14 =	vgt.f32 v13, v11;
	vm7 =	vmand vm12, vm13;
	v63 =	vld.idx.msk [tilespmem:v3+s8+$0x0], $0xffff  }
0xb1: {  	vm9 =	vmor vm14, vm7  }
0xb2: {  	v6 =	vsel vm3, v33, v6;
	v11 =	vsel vm9, v13, v11  }
0xb3: {  	v6 =	vsub.f32 v11, v6;
	_ =	sdelay $0x1  }
0xb4: {  	v6 =	vmul.f32 $1.442695020e+00, v6;
	vm3 =	veq.f32 v62, v23;
	vm15 =	vlt.s32 v63, v24  }
0xb5: {  	vm12 =	vgt.f32 v62, v23;
	vm3 =	vmand vm3, vm15  }
0xb6: {  	(erf) = vpow2.f32 v6;
	vm7 =	vmor vm12, vm3  }
0xb7: {  	v13 =	vsel vm7, v63, v24  }
0xb8: {  	vm3 =	veq.s32 v13, v0  }
0xb9: {  	[tilespmem:$0x300] =	vst v0;
	v6 =	vsel vm3, $0xFF800000, v22  }
0xba: {  	[tilespmem:$0x280] =	vst v6  }
0xbb: {  	v24 =	vld.idx.msk [tilespmem:v1+s7+$0x0], $0xffff  }
0xbc: {  	v26 =	vld.idx.msk [tilespmem:v1+s8+$0x0], $0xffff;
	_ =	sdelay $0x1  }
0xbd: {  	vm10 =	vlt.s32 v49, v48;
	vm13 =	veq.f32 v19, v18  }
0xbe: {  	vm11 =	vgt.f32 v19, v18;
	vm8 =	vmand vm13, vm10;
	v27 =	vpop (erf)  }
0xbf: {  	v10 =	vsel vm5, v41, v10;
	vm8 =	vmor vm11, vm8;
	v28 =	vadd.f32 $1.000000000e+00, v27  }
0xc0: {  	v29 =	vsel vm8, v19, v18;
	vm14 =	veq.f32 v24, v6;
	vm15 =	vlt.s32 v26, v0  }
0xc1: {  	(erf) = vrcp.f32 v28;
	vm12 =	vgt.f32 v24, v6;
	vm10 =	vmand vm15, vm14  }
0xc2: {  	v10 =	vsub.f32 v29, v10;
	vm13 =	vmor vm12, vm10  }
0xc3: {  	v6 =	vsel vm13, v24, v6  }
0xc4: {  	v10 =	vmul.f32 $1.442695020e+00, v10;
	v30 =	vsel vm13, v26, v0;
	[tilespmem:$0x280] =	vst v6  }
0xc5: {  	[tilespmem:$0x300] =	vst v30  }
0xc6: {  	(erf) = vpow2.f32 v10;
	v31 =	vld.idx.msk [tilespmem:v2+s7+$0x0], $0xffff  }
0xc7: {  	v32 =	vld.idx.msk [tilespmem:v2+s8+$0x0], $0xffff;
	_ =	sdelay $0x2  }
0xc8: {  	v4 =	vsel vm9, v5, v4;
	v33 =	vpop (erf)  }
0xc9: {  	vm11 =	vlt.s32 v61, v59;
	v5 =	vmul.f32 v33, v27;
	v12 =	vnsel vm1, $0x0, v33  }
0xca: {  	vm1 =	veq.s32 v4, v0;
	vm14 =	veq.f32 v31, v6;
	vm15 =	vlt.s32 v32, v30  }
0xcb: {  	vm10 =	vgt.f32 v31, v6;
	v4 =	vnsel vm1, $0x0, v5;
	vm1 =	vmand vm14, vm15  }
0xcc: {  	vm12 =	vgt.f32 v60, v20;
	v4 =	vadd.f32 v4, v12;
	vm1 =	vmor vm10, vm1  }
0xcd: {  	v34 =	vpop (erf);
	v5 =	vsel vm1, v31, v6;
	v7 =	vsel vm1, v32, v30;
	vm1 =	veq.f32 v60, v20  }
0xce: {  	v35 =	vadd.f32 $1.000000000e+00, v34;
	v4 =	vnsel vm0, $0x0, v4;
	[tilespmem:$0x280] =	vst v5;
	vm1 =	vmand vm1, vm11  }
0xcf: {  	[tilespmem:$0x300] =	vst v7;
	v37 =	vmul.f32 v4, v4;
	vm1 =	vmor vm12, vm1  }
0xd0: {  	v16 =	vsel vm6, v53, v16;
	(erf) = vrcp.f32 v35;
	v36 =	vld.idx.msk [tilespmem:v3+s7+$0x0], $0xffff;
	v39 =	vsel vm1, v60, v20  }
0xd1: {  	v38 =	vld.idx.msk [tilespmem:v3+s8+$0x0], $0xffff;
	[tilespmem:$0x280] =	vst v37;
	v10 =	vsub.f32 v39, v16  }
0xd2: {  	v40 =	vld.idx.msk [tilespmem:v1+s7+$0x0], $0xffff  }
0xd3: {  	v10 =	vmul.f32 $1.442695020e+00, v10;
	_ =	sdelay $0x1  }
0xd4: {  	(erf) = vpow2.f32 v10;
	_ =	sdelay $0x1  }
0xd5: {  	v41 =	vadd.f32 v40, v37;
	_ =	sdelay $0x1  }
0xd6: {  	v42 =	vpop (erf);
	[tilespmem:$0x280] =	vst v41  }
0xd7: {  	v8 =	vsel vm8, v49, v48;
	v6 =	vmul.f32 v42, v34;
	v43 =	vld.idx.msk [tilespmem:v2+s7+$0x0], $0xffff  }
0xd8: {  	vm13 =	veq.s32 v8, v0  }
0xd9: {  	v44 =	vnsel vm2, $0x0, v42;
	v6 =	vnsel vm13, $0x0, v6  }
0xda: {  	vm14 =	vlt.s32 v38, v7;
	vm2 =	veq.f32 v36, v5;
	v6 =	vadd.f32 v6, v44  }
0xdb: {  	vm15 =	vgt.f32 v36, v5;
	vm2 =	vmand vm2, vm14;
	v45 =	vpop (erf)  }
0xdc: {  	v6 =	vnsel vm0, $0x0, v6;
	v9 =	vadd.f32 v43, v41;
	v46 =	vadd.f32 $1.000000000e+00, v45  }
0xdd: {  	vm2 =	vmor vm15, vm2;
	v47 =	vmul.f32 v6, v4  }
0xde: {  	v49 =	vsel vm7, v62, v23;
	v5 =	vsel vm2, v36, v5;
	[tilespmem:$0x280] =	vst v9;
	(erf) = vrcp.f32 v46  }
0xdf: {  	v5 =	vsub.f32 v5, v49;
	v48 =	vld.idx.msk [tilespmem:v3+s7+$0x0], $0xffff;
	[tilespmem:$0x280] =	vst v47  }
0xe0: {  	v50 =	vld.idx.msk [tilespmem:v1+s7+$0x0], $0xffff  }
0xe1: {  	v5 =	vmul.f32 $1.442695020e+00, v5;
	_ =	sdelay $0x1  }
0xe2: {  	(erf) = vpow2.f32 v5;
	_ =	sdelay $0x1  }
0xe3: {  	v5 =	vadd.f32 v50, v47;
	_ =	sdelay $0x1  }
0xe4: {  	[tilespmem:$0x280] =	vst v5;
	v51 =	vpop (erf)  }
0xe5: {  	v53 =	vsel vm1, v61, v59;
	v52 =	vld.idx.msk [tilespmem:v2+s7+$0x0], $0xffff;
	v8 =	vmul.f32 v51, v45  }
0xe6: {  	vm1 =	veq.s32 v53, v0  }
0xe7: {  	v10 =	vnsel vm4, $0x0, v51;
	v8 =	vnsel vm1, $0x0, v8  }
0xe8: {  	v8 =	vadd.f32 v8, v10  }
0xe9: {  	v54 =	vpop (erf)  }
0xea: {  	v55 =	vadd.f32 $1.000000000e+00, v54;
	v5 =	vadd.f32 v52, v5;
	v8 =	vnsel vm0, $0x0, v8  }
0xeb: {  	v56 =	vmul.f32 v8, v4  }
0xec: {  	(erf) = vrcp.f32 v55;
	[tilespmem:$0x280] =	vst v5  }
0xed: {  	v57 =	vld.idx.msk [tilespmem:v3+s7+$0x0], $0xffff;
	[tilespmem:$0x280] =	vst v56  }
0xee: {  	v58 =	vld.idx.msk [tilespmem:v1+s7+$0x0], $0xffff;
	_ =	sdelay $0x4  }
0xef: {  	v11 =	vadd.f32 v58, v56;
	_ =	sdelay $0x1  }
0xf0: {  	v59 =	vpop (erf);
	[tilespmem:$0x280] =	vst v11  }
0xf1: {  	v7 =	vsel vm2, v38, v7;
	v10 =	vmul.f32 v59, v54;
	v60 =	vld.idx.msk [tilespmem:v2+s7+$0x0], $0xffff  }
0xf2: {  	vm1 =	veq.s32 v7, v0  }
0xf3: {  	v61 =	vnsel vm3, $0x0, v59;
	v10 =	vnsel vm1, $0x0, v10  }
0xf4: {  	v7 =	vadd.f32 v10, v61;
	_ =	sdelay $0x1  }
0xf5: {  	v7 =	vnsel vm0, $0x0, v7;
	v62 =	vadd.f32 v60, v11  }
0xf6: {  	v4 =	vmul.f32 v7, v4  }
0xf7: {  	[tilespmem:$0x280] =	vst v62  }
0xf8: {  	v63 =	vld.idx.msk [tilespmem:v3+s7+$0x0], $0xffff;
	[tilespmem:$0x280] =	vst v4  }
0xf9: {  	v24 =	vld.idx.msk [tilespmem:v1+s7+$0x0], $0xffff;
	_ =	sdelay $0x4  }
0xfa: {  	v4 =	vadd.f32 v24, v4;
	_ =	sdelay $0x1  }
0xfb: {  	[tilespmem:$0x280] =	vst v4  }
0xfc: {  	v25 =	vld.idx.msk [tilespmem:v2+s7+$0x0], $0xffff;
	_ =	sdelay $0x4  }
0xfd: {  	v4 =	vadd.f32 v25, v4  }
0xfe: {  	v26 =	vmul.f32 v6, v6  }
0xff: {  	[tilespmem:$0x280] =	vst v4  }
0x100: {  	v27 =	vld.idx.msk [tilespmem:v3+s7+$0x0], $0xffff;
	[tilespmem:$0x280] =	vst v26  }
0x101: {  	v28 =	vld.idx.msk [tilespmem:v1+s7+$0x0], $0xffff;
	_ =	sdelay $0x4  }
0x102: {  	v12 =	vadd.f32 v28, v26;
	_ =	sdelay $0x1  }
0x103: {  	[tilespmem:$0x280] =	vst v12  }
0x104: {  	v29 =	vld.idx.msk [tilespmem:v2+s7+$0x0], $0xffff;
	_ =	sdelay $0x4  }
0x105: {  	v12 =	vadd.f32 v29, v12  }
0x106: {  	v30 =	vmul.f32 v8, v6  }
0x107: {  	[tilespmem:$0x280] =	vst v12  }
0x108: {  	v31 =	vld.idx.msk [tilespmem:v3+s7+$0x0], $0xffff;
	[tilespmem:$0x280] =	vst v30  }
0x109: {  	v32 =	vld.idx.msk [tilespmem:v1+s7+$0x0], $0xffff;
	_ =	sdelay $0x4  }
0x10a: {  	v15 =	vadd.f32 v32, v30;
	_ =	sdelay $0x1  }
0x10b: {  	[tilespmem:$0x280] =	vst v15  }
0x10c: {  	v33 =	vld.idx.msk [tilespmem:v2+s7+$0x0], $0xffff;
	_ =	sdelay $0x4  }
0x10d: {  	v15 =	vadd.f32 v33, v15  }
0x10e: {  	v6 =	vmul.f32 v7, v6  }
0x10f: {  	[tilespmem:$0x280] =	vst v15  }
0x110: {  	v34 =	vld.idx.msk [tilespmem:v3+s7+$0x0], $0xffff;
	[tilespmem:$0x280] =	vst v6  }
0x111: {  	v35 =	vld.idx.msk [tilespmem:v1+s7+$0x0], $0xffff;
	_ =	sdelay $0x4  }
0x112: {  	v6 =	vadd.f32 v35, v6;
	_ =	sdelay $0x1  }
0x113: {  	[tilespmem:$0x280] =	vst v6  }
0x114: {  	v36 =	vld.idx.msk [tilespmem:v2+s7+$0x0], $0xffff;
	_ =	sdelay $0x4  }
0x115: {  	v6 =	vadd.f32 v36, v6  }
0x116: {  	v37 =	vmul.f32 v8, v8  }
0x117: {  	[tilespmem:$0x280] =	vst v6  }
0x118: {  	v38 =	vld.idx.msk [tilespmem:v3+s7+$0x0], $0xffff;
	[tilespmem:$0x280] =	vst v37  }
0x119: {  	v39 =	vld.idx.msk [tilespmem:v1+s7+$0x0], $0xffff;
	_ =	sdelay $0x4  }
0x11a: {  	v19 =	vadd.f32 v39, v37;
	_ =	sdelay $0x1  }
0x11b: {  	[tilespmem:$0x280] =	vst v19  }
0x11c: {  	v40 =	vld.idx.msk [tilespmem:v2+s7+$0x0], $0xffff;
	_ =	sdelay $0x4  }
0x11d: {  	v19 =	vadd.f32 v40, v19  }
0x11e: {  	v8 =	vmul.f32 v7, v8  }
0x11f: {  	[tilespmem:$0x280] =	vst v19  }
0x120: {  	v41 =	vld.idx.msk [tilespmem:v3+s7+$0x0], $0xffff;
	[tilespmem:$0x280] =	vst v8  }
0x121: {  	v42 =	vld.idx.msk [tilespmem:v1+s7+$0x0], $0xffff;
	_ =	sdelay $0x4  }
0x122: {  	v8 =	vadd.f32 v42, v8;
	_ =	sdelay $0x1  }
0x123: {  	[tilespmem:$0x280] =	vst v8  }
0x124: {  	v43 =	vld.idx.msk [tilespmem:v2+s7+$0x0], $0xffff;
	_ =	sdelay $0x4  }
0x125: {  	v8 =	vadd.f32 v43, v8  }
0x126: {  	v7 =	vmul.f32 v7, v7  }
0x127: {  	[tilespmem:$0x280] =	vst v8  }
0x128: {  	v44 =	vld.idx.msk [tilespmem:v3+s7+$0x0], $0xffff;
	[tilespmem:$0x280] =	vst v7  }
0x129: {  	v45 =	vld.idx.msk [tilespmem:v1+s7+$0x0], $0xffff;
	_ =	sdelay $0x1  }
0x12a: {  	v9 =	vadd.f32 v48, v9;
	v5 =	vadd.f32 v57, v5;
	_ =	sdelay $0x1  }
0x12b: {  	v9 =	vadd.f32 $-1.000000000e+00, v9;
	v46 =	vadd.f32 v5, v5  }
0x12c: {  	v10 =	vadd.f32 v63, v62;
	v7 =	vadd.f32 v45, v7  }
0x12d: {  	v9 =	vmul.f32 v9, v9  }
0x12e: {  	v5 =	vmul.f32 v46, v5;
	v47 =	vadd.f32 v10, v10;
	v4 =	vadd.f32 v27, v4;
	[tilespmem:$0x280] =	vst v7  }
0x12f: {  	v48 =	vld.idx.msk [tilespmem:v2+s7+$0x0], $0xffff  }
0x130: {  	v5 =	vadd.f32 v5, v9;
	v49 =	vmul.f32 v47, v10;
	v50 =	vadd.f32 v4, v4  }
0x131: {  	v51 =	vadd.f32 v31, v12  }
0x132: {  	v5 =	vadd.f32 v49, v5;
	v4 =	vmul.f32 v50, v4  }
0x133: {  	v53 =	vadd.f32 $-1.000000000e+00, v51;
	v52 =	vadd.f32 v34, v15  }
0x134: {  	v4 =	vadd.f32 v4, v5;
	v5 =	vadd.f32 v48, v7  }
0x135: {  	v54 =	vmul.f32 v53, v53;
	v55 =	vadd.f32 v52, v52;
	v6 =	vadd.f32 v38, v6  }
0x136: {  	[tilespmem:$0x280] =	vst v5  }
0x137: {  	v4 =	vadd.f32 v54, v4;
	v56 =	vmul.f32 v55, v52;
	v57 =	vadd.f32 v6, v6;
	v58 =	vld.idx.msk [tilespmem:v3+s7+$0x0], $0xffff  }
0x138: {  	v59 =	vadd.f32 v41, v19  }
0x139: {  	v4 =	vadd.f32 v56, v4;
	v6 =	vmul.f32 v57, v6  }
0x13a: {  	v60 =	vadd.f32 $-1.000000000e+00, v59;
	v8 =	vadd.f32 v44, v8  }
0x13b: {  	v4 =	vadd.f32 v6, v4  }
0x13c: {  	v61 =	vmul.f32 v60, v60;
	v62 =	vadd.f32 v8, v8;
	v5 =	vadd.f32 v58, v5;
	_ =	sdelay $0x1  }
0x13d: {  	v4 =	vadd.f32 v61, v4;
	v63 =	vmul.f32 v62, v8;
	v5 =	vadd.f32 $-1.000000000e+00, v5;
	_ =	sdelay $0x1  }
0x13e: {  	v4 =	vadd.f32 v63, v4;
	v5 =	vmul.f32 v5, v5;
	_ =	sdelay $0x1  }
0x13f: {  	v4 =	vadd.f32 v5, v4  }
0x140: {  	p0 =	sne.s32 s4, $0x1  }
.Ltmp1:
0x141: {  	[tilespmem:$0x200] =	vst v4;
	(pc) =	sbr.rel @p0 .LBB2_2-.Ltmp1, $4  }
0x142: {  	[hbm4b:s3+s5] =	stream.linear.scatter [tilespmem:s9], [sflag:$0x1], $0x80, $0x38;
	[tilespmem:$0x380] =	vst v63  }
0x143: {  	_ =	swait.ge [sflag:s6], $0x80  }
0x144: {  	[sflag:s6] =	ssyncset.done $0x0  }
0x145: {  	s4 =	sadd.s32 $0xFFFFFFFF, s4;
	[sflag:s6] =	ssyncadd.s32 $0xFFFFFF80  }
.LBB2_3:
0x146: {  	_ =	sfence.sel $0x180000  }
0x147: {  	[bflag:$0x0] =	sbarrier.arrive $0xFFFF  }
0x148: {  	p0 =	sne.s32 s0, $0x0;
	_ =	strace $0x90000047  }
0x149: {  	s0 =	sadd.s32 @!p0 $0x100000, s1;
	[bflag:$0x2] =	sbarrier.arrive $0xFFFF  }
0x14a: {  	[sflag:s0] =	ssyncadd.tile.s32 @!p0 $0x1;
	_ =	shalt  }
.Lfunc_end2:
_tile_overlayer_lowered:
.L_overlay_start_2:
0x14b: {  	(tag) =	ssettag $0x2  }
0x14c: {  	s0 =	rddreg [dreg:$0x0];
	s2 =	stileid.u32  }
0x14d: {  	s1 =	rddreg [dreg:$0x1];
	p0 =	sne.s32 s2, $0x0  }
0x14e: {  	s3 =	rddreg [dreg:$0x2];
	[bflag:$0x3] =	sbarrier.arrive $0xFFFF;
	s2 =	simm.s32 @!p0 $0x1C01  }
0x14f: {  	[timem:s3], [sflag:s2] =	dma.local @!p0 [hbm:s0], s1  }
0x150: {  	s0 =	simm.s32 @!p0 $0x1  }
0x151: {  	_ =	swait.ge @!p0 [sflag:s0], s1  }
0x152: {  	s1 =	ssub.s32 @!p0 $0x0, s1;
	[sflag:s0] =	ssyncset.done @!p0 $0x0  }
0x153: {  	[sflag:s0] =	ssyncadd.s32 @!p0 s1  }
0x154: {  	[bflag:$0x3] =	sbarrier.arrive $0xFFFF  }
0x155: {  	_ =	shalt  }

</sc_bundles>
